<compile_context>
chip_gen: v7x
topology: tpu7x:2x2x1
jax: 0.10.2.dev20260603
libtpu: 0.0.44.dev20260713+nightly
codegen_flags: <defaults>
</compile_context>

<pallas_src>
import functools

import jax
import jax.numpy as jnp
from jax import lax
from jax.experimental import pallas as pl
from jax.experimental.pallas import tpu as pltpu
from jax.experimental.pallas import tpu_sc as plsc

NUM_FIELDS = 26
VOCAB = 100000
EMB_DIM = 16
BATCH = 4096

_NC = 2
_NS = 16
_NW = _NC * _NS
_CHUNKS = BATCH // 128
_LAG = 48
_SPLITS = (16, 10)


def _make_body(n_fields):
    rows = n_fields * EMB_DIM
    r_per_w = rows // _NW
    n_dma = r_per_w * _CHUNKS
    n_stage = 2

    def body(tab_hbm, idx_hbm, out_hbm, idx_v, rows_v, sem):
        wid = lax.axis_index("s") * _NC + lax.axis_index("c")
        r0 = wid * r_per_w
        f0 = r0 // EMB_DIM
        f1 = (r0 + r_per_w - 1) // EMB_DIM
        pltpu.sync_copy(idx_hbm.at[f0], idx_v.at[0])
        pltpu.sync_copy(idx_hbm.at[f1], idx_v.at[1])

        def slices(i):
            row = i // _CHUNKS
            chunk = i - row * _CHUNKS
            r = r0 + row
            f = r // EMB_DIM
            d = r - f * EMB_DIM
            src = tab_hbm.at[f].at[d].at[idx_v.at[f - f0].at[chunk]]
            dst = rows_v.at[pl.ds(i * 128, 128)]
            return src, dst

        def fire_body(i, carry):
            src, dst = slices(i)
            pltpu.async_copy(src, dst, sem)

            @pl.when(i >= _LAG)
            def _():
                src2, dst2 = slices(i - _LAG)
                pltpu.make_async_copy(src2, dst2, sem).wait()

            return carry

        lax.fori_loop(0, n_dma, fire_body, 0)

        def drain_body(i, carry):
            src2, dst2 = slices(i)
            pltpu.make_async_copy(src2, dst2, sem).wait()
            return carry

        lax.fori_loop(n_dma - _LAG, n_dma, drain_body, 0)

        pltpu.sync_copy(rows_v, out_hbm.at[pl.ds(wid * n_dma * 128, n_dma * 128)])

    return body, rows, n_dma


@jax.jit
def _impl(indices, tables):
    tabT = jnp.transpose(tables, (0, 2, 1))
    idxT = indices.T.reshape(NUM_FIELDS, _CHUNKS, 128)
    mesh = plsc.VectorSubcoreMesh(core_axis_name="c", subcore_axis_name="s")
    outs = []
    f_base = 0
    for n_fields in _SPLITS:
        body, rows, n_dma = _make_body(n_fields)
        run = pl.kernel(
            body,
            out_type=jax.ShapeDtypeStruct((rows * BATCH,), jnp.float32),
            mesh=mesh,
            compiler_params=pltpu.CompilerParams(use_tc_tiling_on_sc=False),
            scratch_types=[
                pltpu.VMEM((2, _CHUNKS, 128), jnp.int32),
                pltpu.VMEM((n_dma * 128,), jnp.float32),
                pltpu.SemaphoreType.DMA,
            ],
        )
        outs.append(
            run(tabT[f_base:f_base + n_fields], idxT[f_base:f_base + n_fields])
        )
        f_base += n_fields
    out = jnp.concatenate(outs)
    return out.reshape(NUM_FIELDS * EMB_DIM, BATCH).T.reshape(
        BATCH, NUM_FIELDS * EMB_DIM)


def kernel(indices, tables):
    return _impl(indices, tables)

# --- scband reference (transcript-rebuilt; emitter-appended) ---
"""Pipeline reference for scband-recon-embedding-26250840113717 (READ-ONLY COPY).

The authoritative reference and input builder live on the scoring server;
editing this copy changes nothing except your own understanding.
"""

import jax, jax.numpy as jnp
import numpy as np

NUM_FIELDS = 26
VOCAB = 100000
EMB_DIM = 16
BATCH = 4096


def setup_inputs(seed: int = 0) -> dict:
    key = jax.random.key(seed)
    k_idx, k_tab = jax.random.split(key)
    # Per-field categorical ids, one int id per sparse field per example.
    indices = jax.random.randint(k_idx, (BATCH, NUM_FIELDS), 0, VOCAB, dtype=jnp.int32)
    # One embedding table per feature field (ModuleDict of nn.Embedding in torch),
    # stacked into a single [F, V, D] tensor. Init: normal(std=1e-4) per
    # embedding_initializer='partial(nn.init.normal_, std=1e-4)'.
    tables = jax.random.normal(k_tab, (NUM_FIELDS, VOCAB, EMB_DIM), dtype=jnp.float32) * 1e-4
    return {"indices": indices, "tables": tables}


def reference(indices, tables):
    # FeatureEmbeddingDict.forward: for each categorical feature, look up its
    # embedding table with the field's ids, then (dict2tensor) concatenate the
    # per-field embeddings along the last dim -> [B, F * D].
    field_ids = jnp.arange(NUM_FIELDS, dtype=jnp.int32)[None, :]  # [1, F]
    # Gather: tables[f, indices[b, f], :] -> [B, F, D]
    embs = tables[field_ids, indices]
    out = embs.reshape(indices.shape[0], NUM_FIELDS * EMB_DIM)
    return out

if __name__ == "__main__":
    import jax
    _d = setup_inputs()
    print(jax.jit(kernel)(*tuple(_d.values())))

</pallas_src>

<mosaic_0001>
#map = affine_map<(d0, d1) -> (0, 0, 0)>
#map1 = affine_map<(d0, d1) -> (0)>
module attributes {stable_mosaic.version = 14 : i64} {
  func.func @body(%arg0: i32, %arg1: i32, %arg2: memref<16x16x100000xf32, #tpu.memory_space<hbm>>, %arg3: memref<16x32x128xi32, #tpu.memory_space<hbm>>, %arg4: memref<1048576xf32, #tpu.memory_space<hbm>>, %arg5: memref<2x32x128xi32, #tpu.memory_space<vmem>>, %arg6: memref<32768xf32, #tpu.memory_space<vmem>>, %arg7: memref<!tpu.dma_semaphore, #tpu.memory_space<semaphore_mem>>) attributes {dimension_semantics = [#tpu.dimension_semantics<core_parallel>, #tpu.dimension_semantics<subcore_parallel>], iteration_bounds = array<i64: 2, 16>, scalar_prefetch = 0 : i64, scratch_operands = 3 : i64, tpu.core_type = #tpu.core_type<sc_vector_subcore>, window_params = [{transform_indices = #map}, {transform_indices = #map}, {transform_indices = #map1}]} {
    %mul3A = arith.constant 2 : i32
    %mul3A_0 = arith.muli %arg1, %mul3A : i32
    %add3A = arith.addi %mul3A_0, %arg0 : i32
    %mul3A_1 = arith.constant 8 : i32
    %mul3A_2 = arith.muli %add3A, %mul3A_1 : i32
    %jit3A = arith.constant 16 : i32
    %div3A = arith.divsi %mul3A_2, %jit3A : i32
    %sign3A = arith.constant 0 : i32
    %sign3A_3 = arith.cmpi sgt, %mul3A_2, %sign3A : i32
    %sign3A_4 = arith.extui %sign3A_3 : i1 to i32
    %sign3A_5 = arith.constant 0 : i32
    %sign3A_6 = arith.cmpi slt, %mul3A_2, %sign3A_5 : i32
    %sign3A_7 = arith.extui %sign3A_6 : i1 to i32
    %sign3A_8 = arith.subi %sign3A_4, %sign3A_7 : i32
    %sign3A_9 = arith.constant 0 : i32
    %sign3A_10 = arith.cmpi sgt, %jit3A, %sign3A_9 : i32
    %sign3A_11 = arith.extui %sign3A_10 : i1 to i32
    %sign3A_12 = arith.constant 0 : i32
    %sign3A_13 = arith.cmpi slt, %jit3A, %sign3A_12 : i32
    %sign3A_14 = arith.extui %sign3A_13 : i1 to i32
    %sign3A_15 = arith.subi %sign3A_11, %sign3A_14 : i32
    %ne3A = arith.cmpi ne, %sign3A_8, %sign3A_15 : i32
    %rem3A = arith.remsi %mul3A_2, %jit3A : i32
    %ne3A_16 = arith.constant 0 : i32
    %ne3A_17 = arith.cmpi ne, %rem3A, %ne3A_16 : i32
    %and3A = arith.andi %ne3A, %ne3A_17 : i1
    %sub3A = arith.constant 1 : i32
    %sub3A_18 = arith.subi %div3A, %sub3A : i32
    %select_n3A = arith.select %and3A, %sub3A_18, %div3A : i32
    %add3A_19 = arith.constant 8 : i32
    %add3A_20 = arith.addi %mul3A_2, %add3A_19 : i32
    %sub3A_21 = arith.constant 1 : i32
    %sub3A_22 = arith.subi %add3A_20, %sub3A_21 : i32
    %jit3A_23 = arith.constant 16 : i32
    %div3A_24 = arith.divsi %sub3A_22, %jit3A_23 : i32
    %sign3A_25 = arith.constant 0 : i32
    %sign3A_26 = arith.cmpi sgt, %sub3A_22, %sign3A_25 : i32
    %sign3A_27 = arith.extui %sign3A_26 : i1 to i32
    %sign3A_28 = arith.constant 0 : i32
    %sign3A_29 = arith.cmpi slt, %sub3A_22, %sign3A_28 : i32
    %sign3A_30 = arith.extui %sign3A_29 : i1 to i32
    %sign3A_31 = arith.subi %sign3A_27, %sign3A_30 : i32
    %sign3A_32 = arith.constant 0 : i32
    %sign3A_33 = arith.cmpi sgt, %jit3A_23, %sign3A_32 : i32
    %sign3A_34 = arith.extui %sign3A_33 : i1 to i32
    %sign3A_35 = arith.constant 0 : i32
    %sign3A_36 = arith.cmpi slt, %jit3A_23, %sign3A_35 : i32
    %sign3A_37 = arith.extui %sign3A_36 : i1 to i32
    %sign3A_38 = arith.subi %sign3A_34, %sign3A_37 : i32
    %ne3A_39 = arith.cmpi ne, %sign3A_31, %sign3A_38 : i32
    %rem3A_40 = arith.remsi %sub3A_22, %jit3A_23 : i32
    %ne3A_41 = arith.constant 0 : i32
    %ne3A_42 = arith.cmpi ne, %rem3A_40, %ne3A_41 : i32
    %and3A_43 = arith.andi %ne3A_39, %ne3A_42 : i1
    %sub3A_44 = arith.constant 1 : i32
    %sub3A_45 = arith.subi %div3A_24, %sub3A_44 : i32
    %select_n3A_46 = arith.select %and3A_43, %sub3A_45, %div3A_24 : i32
    %run_scoped3A = arith.constant 0 : i32
    "tpu.region"() ({
      %run_scoped3A_63 = tpu.sem_alloc : memref<!tpu.dma_semaphore, #tpu.memory_space<semaphore_mem>>
      %dma_start3A = arith.constant 0 : i32
      %dma_start3A_64 = arith.constant 0 : i32
      %dma_start3A_65 = tpu.memref_slice %arg5[%run_scoped3A, %dma_start3A, %dma_start3A_64] : memref<2x32x128xi32, #tpu.memory_space<vmem>> -> memref<1x32x128xi32, #tpu.memory_space<vmem>>
      %dma_start3A_66 = tpu.memref_squeeze %dma_start3A_65 : memref<1x32x128xi32, #tpu.memory_space<vmem>> -> memref<32x128xi32, #tpu.memory_space<vmem>>
      %dma_start3A_67 = arith.constant 0 : i32
      %dma_start3A_68 = arith.constant 0 : i32
      %dma_start3A_69 = tpu.memref_slice %arg3[%select_n3A, %dma_start3A_67, %dma_start3A_68] : memref<16x32x128xi32, #tpu.memory_space<hbm>> -> memref<1x32x128xi32, #tpu.memory_space<hbm>>
      %dma_start3A_70 = tpu.memref_squeeze %dma_start3A_69 : memref<1x32x128xi32, #tpu.memory_space<hbm>> -> memref<32x128xi32, #tpu.memory_space<hbm>>
      %dma_start3A_71 = arith.constant 0 : i32
      %dma_start3A_72 = arith.constant 0 : i32
      %dma_start3A_73 = tpu.memref_slice %arg5[%run_scoped3A, %dma_start3A_71, %dma_start3A_72] : memref<2x32x128xi32, #tpu.memory_space<vmem>> -> memref<1x32x128xi32, #tpu.memory_space<vmem>>
      %dma_start3A_74 = tpu.memref_squeeze %dma_start3A_73 : memref<1x32x128xi32, #tpu.memory_space<vmem>> -> memref<32x128xi32, #tpu.memory_space<vmem>>
      %dma_start3A_75 = arith.constant 0 : i32
      %dma_start3A_76 = arith.constant 0 : i32
      %dma_start3A_77 = tpu.memref_slice %arg3[%select_n3A, %dma_start3A_75, %dma_start3A_76] : memref<16x32x128xi32, #tpu.memory_space<hbm>> -> memref<1x32x128xi32, #tpu.memory_space<hbm>>
      %dma_start3A_78 = tpu.memref_squeeze %dma_start3A_77 : memref<1x32x128xi32, #tpu.memory_space<hbm>> -> memref<32x128xi32, #tpu.memory_space<hbm>>
      tpu.enqueue_dma source(%dma_start3A_78 : memref<32x128xi32, #tpu.memory_space<hbm>>) target(%dma_start3A_74 : memref<32x128xi32, #tpu.memory_space<vmem>>) target_semaphore(%run_scoped3A_63 : memref<!tpu.dma_semaphore, #tpu.memory_space<semaphore_mem>>)
      %dma_wait3A = arith.constant 0 : i32
      %dma_wait3A_79 = arith.constant 0 : i32
      %dma_wait3A_80 = tpu.memref_slice %arg5[%run_scoped3A, %dma_wait3A, %dma_wait3A_79] : memref<2x32x128xi32, #tpu.memory_space<vmem>> -> memref<1x32x128xi32, #tpu.memory_space<vmem>>
      %dma_wait3A_81 = tpu.memref_squeeze %dma_wait3A_80 : memref<1x32x128xi32, #tpu.memory_space<vmem>> -> memref<32x128xi32, #tpu.memory_space<vmem>>
      %dma_wait3A_82 = arith.constant 0 : i32
      %dma_wait3A_83 = arith.constant 0 : i32
      %dma_wait3A_84 = tpu.memref_slice %arg3[%select_n3A, %dma_wait3A_82, %dma_wait3A_83] : memref<16x32x128xi32, #tpu.memory_space<hbm>> -> memref<1x32x128xi32, #tpu.memory_space<hbm>>
      %dma_wait3A_85 = tpu.memref_squeeze %dma_wait3A_84 : memref<1x32x128xi32, #tpu.memory_space<hbm>> -> memref<32x128xi32, #tpu.memory_space<hbm>>
      %dma_wait3A_86 = arith.constant 0 : i32
      %dma_wait3A_87 = arith.constant 0 : i32
      %dma_wait3A_88 = tpu.memref_slice %arg5[%run_scoped3A, %dma_wait3A_86, %dma_wait3A_87] : memref<2x32x128xi32, #tpu.memory_space<vmem>> -> memref<1x32x128xi32, #tpu.memory_space<vmem>>
      %dma_wait3A_89 = tpu.memref_squeeze %dma_wait3A_88 : memref<1x32x128xi32, #tpu.memory_space<vmem>> -> memref<32x128xi32, #tpu.memory_space<vmem>>
      %dma_wait3A_90 = arith.constant 0 : i32
      %dma_wait3A_91 = arith.constant 0 : i32
      %dma_wait3A_92 = tpu.memref_slice %arg3[%select_n3A, %dma_wait3A_90, %dma_wait3A_91] : memref<16x32x128xi32, #tpu.memory_space<hbm>> -> memref<1x32x128xi32, #tpu.memory_space<hbm>>
      %dma_wait3A_93 = tpu.memref_squeeze %dma_wait3A_92 : memref<1x32x128xi32, #tpu.memory_space<hbm>> -> memref<32x128xi32, #tpu.memory_space<hbm>>
      tpu.wait_dma2 semaphore(%run_scoped3A_63 : memref<!tpu.dma_semaphore, #tpu.memory_space<semaphore_mem>>) src(%dma_wait3A_93 : memref<32x128xi32, #tpu.memory_space<hbm>>) dst(%dma_wait3A_89 : memref<32x128xi32, #tpu.memory_space<vmem>>)
      tpu.yield
    }) : () -> ()
    %run_scoped3A_47 = arith.constant 1 : i32
    "tpu.region"() ({
      %run_scoped3A_63 = tpu.sem_alloc : memref<!tpu.dma_semaphore, #tpu.memory_space<semaphore_mem>>
      %dma_start3A = arith.constant 0 : i32
      %dma_start3A_64 = arith.constant 0 : i32
      %dma_start3A_65 = tpu.memref_slice %arg5[%run_scoped3A_47, %dma_start3A, %dma_start3A_64] : memref<2x32x128xi32, #tpu.memory_space<vmem>> -> memref<1x32x128xi32, #tpu.memory_space<vmem>>
      %dma_start3A_66 = tpu.memref_squeeze %dma_start3A_65 : memref<1x32x128xi32, #tpu.memory_space<vmem>> -> memref<32x128xi32, #tpu.memory_space<vmem>>
      %dma_start3A_67 = arith.constant 0 : i32
      %dma_start3A_68 = arith.constant 0 : i32
      %dma_start3A_69 = tpu.memref_slice %arg3[%select_n3A_46, %dma_start3A_67, %dma_start3A_68] : memref<16x32x128xi32, #tpu.memory_space<hbm>> -> memref<1x32x128xi32, #tpu.memory_space<hbm>>
      %dma_start3A_70 = tpu.memref_squeeze %dma_start3A_69 : memref<1x32x128xi32, #tpu.memory_space<hbm>> -> memref<32x128xi32, #tpu.memory_space<hbm>>
      %dma_start3A_71 = arith.constant 0 : i32
      %dma_start3A_72 = arith.constant 0 : i32
      %dma_start3A_73 = tpu.memref_slice %arg5[%run_scoped3A_47, %dma_start3A_71, %dma_start3A_72] : memref<2x32x128xi32, #tpu.memory_space<vmem>> -> memref<1x32x128xi32, #tpu.memory_space<vmem>>
      %dma_start3A_74 = tpu.memref_squeeze %dma_start3A_73 : memref<1x32x128xi32, #tpu.memory_space<vmem>> -> memref<32x128xi32, #tpu.memory_space<vmem>>
      %dma_start3A_75 = arith.constant 0 : i32
      %dma_start3A_76 = arith.constant 0 : i32
      %dma_start3A_77 = tpu.memref_slice %arg3[%select_n3A_46, %dma_start3A_75, %dma_start3A_76] : memref<16x32x128xi32, #tpu.memory_space<hbm>> -> memref<1x32x128xi32, #tpu.memory_space<hbm>>
      %dma_start3A_78 = tpu.memref_squeeze %dma_start3A_77 : memref<1x32x128xi32, #tpu.memory_space<hbm>> -> memref<32x128xi32, #tpu.memory_space<hbm>>
      tpu.enqueue_dma source(%dma_start3A_78 : memref<32x128xi32, #tpu.memory_space<hbm>>) target(%dma_start3A_74 : memref<32x128xi32, #tpu.memory_space<vmem>>) target_semaphore(%run_scoped3A_63 : memref<!tpu.dma_semaphore, #tpu.memory_space<semaphore_mem>>)
      %dma_wait3A = arith.constant 0 : i32
      %dma_wait3A_79 = arith.constant 0 : i32
      %dma_wait3A_80 = tpu.memref_slice %arg5[%run_scoped3A_47, %dma_wait3A, %dma_wait3A_79] : memref<2x32x128xi32, #tpu.memory_space<vmem>> -> memref<1x32x128xi32, #tpu.memory_space<vmem>>
      %dma_wait3A_81 = tpu.memref_squeeze %dma_wait3A_80 : memref<1x32x128xi32, #tpu.memory_space<vmem>> -> memref<32x128xi32, #tpu.memory_space<vmem>>
      %dma_wait3A_82 = arith.constant 0 : i32
      %dma_wait3A_83 = arith.constant 0 : i32
      %dma_wait3A_84 = tpu.memref_slice %arg3[%select_n3A_46, %dma_wait3A_82, %dma_wait3A_83] : memref<16x32x128xi32, #tpu.memory_space<hbm>> -> memref<1x32x128xi32, #tpu.memory_space<hbm>>
      %dma_wait3A_85 = tpu.memref_squeeze %dma_wait3A_84 : memref<1x32x128xi32, #tpu.memory_space<hbm>> -> memref<32x128xi32, #tpu.memory_space<hbm>>
      %dma_wait3A_86 = arith.constant 0 : i32
      %dma_wait3A_87 = arith.constant 0 : i32
      %dma_wait3A_88 = tpu.memref_slice %arg5[%run_scoped3A_47, %dma_wait3A_86, %dma_wait3A_87] : memref<2x32x128xi32, #tpu.memory_space<vmem>> -> memref<1x32x128xi32, #tpu.memory_space<vmem>>
      %dma_wait3A_89 = tpu.memref_squeeze %dma_wait3A_88 : memref<1x32x128xi32, #tpu.memory_space<vmem>> -> memref<32x128xi32, #tpu.memory_space<vmem>>
      %dma_wait3A_90 = arith.constant 0 : i32
      %dma_wait3A_91 = arith.constant 0 : i32
      %dma_wait3A_92 = tpu.memref_slice %arg3[%select_n3A_46, %dma_wait3A_90, %dma_wait3A_91] : memref<16x32x128xi32, #tpu.memory_space<hbm>> -> memref<1x32x128xi32, #tpu.memory_space<hbm>>
      %dma_wait3A_93 = tpu.memref_squeeze %dma_wait3A_92 : memref<1x32x128xi32, #tpu.memory_space<hbm>> -> memref<32x128xi32, #tpu.memory_space<hbm>>
      tpu.wait_dma2 semaphore(%run_scoped3A_63 : memref<!tpu.dma_semaphore, #tpu.memory_space<semaphore_mem>>) src(%dma_wait3A_93 : memref<32x128xi32, #tpu.memory_space<hbm>>) dst(%dma_wait3A_89 : memref<32x128xi32, #tpu.memory_space<vmem>>)
      tpu.yield
    }) : () -> ()
    %scan3A = arith.constant 0 : i32
    %scan3A_48 = arith.constant 0 : i32
    %scan3A_49 = arith.constant 256 : i32
    %scan3A_50 = arith.addi %scan3A_48, %scan3A_49 : i32
    %scan3A_51 = arith.constant 1 : i32
    scf.for %scan3A_63 = %scan3A_48 to %scan3A_50 step %scan3A_51  : i32 {
      %jit3A_64 = arith.constant 32 : i32
      %div3A_65 = arith.divsi %scan3A_63, %jit3A_64 : i32
      %sign3A_66 = arith.constant 0 : i32
      %sign3A_67 = arith.cmpi sgt, %scan3A_63, %sign3A_66 : i32
      %sign3A_68 = arith.extui %sign3A_67 : i1 to i32
      %sign3A_69 = arith.constant 0 : i32
      %sign3A_70 = arith.cmpi slt, %scan3A_63, %sign3A_69 : i32
      %sign3A_71 = arith.extui %sign3A_70 : i1 to i32
      %sign3A_72 = arith.subi %sign3A_68, %sign3A_71 : i32
      %sign3A_73 = arith.constant 0 : i32
      %sign3A_74 = arith.cmpi sgt, %jit3A_64, %sign3A_73 : i32
      %sign3A_75 = arith.extui %sign3A_74 : i1 to i32
      %sign3A_76 = arith.constant 0 : i32
      %sign3A_77 = arith.cmpi slt, %jit3A_64, %sign3A_76 : i32
      %sign3A_78 = arith.extui %sign3A_77 : i1 to i32
      %sign3A_79 = arith.subi %sign3A_75, %sign3A_78 : i32
      %ne3A_80 = arith.cmpi ne, %sign3A_72, %sign3A_79 : i32
      %rem3A_81 = arith.remsi %scan3A_63, %jit3A_64 : i32
      %ne3A_82 = arith.constant 0 : i32
      %ne3A_83 = arith.cmpi ne, %rem3A_81, %ne3A_82 : i32
      %and3A_84 = arith.andi %ne3A_80, %ne3A_83 : i1
      %sub3A_85 = arith.constant 1 : i32
      %sub3A_86 = arith.subi %div3A_65, %sub3A_85 : i32
      %select_n3A_87 = arith.select %and3A_84, %sub3A_86, %div3A_65 : i32
      %mul3A_88 = arith.constant 32 : i32
      %mul3A_89 = arith.muli %select_n3A_87, %mul3A_88 : i32
      %sub3A_90 = arith.subi %scan3A_63, %mul3A_89 : i32
      %add3A_91 = arith.addi %mul3A_2, %select_n3A_87 : i32
      %jit3A_92 = arith.constant 16 : i32
      %div3A_93 = arith.divsi %add3A_91, %jit3A_92 : i32
      %sign3A_94 = arith.constant 0 : i32
      %sign3A_95 = arith.cmpi sgt, %add3A_91, %sign3A_94 : i32
      %sign3A_96 = arith.extui %sign3A_95 : i1 to i32
      %sign3A_97 = arith.constant 0 : i32
      %sign3A_98 = arith.cmpi slt, %add3A_91, %sign3A_97 : i32
      %sign3A_99 = arith.extui %sign3A_98 : i1 to i32
      %sign3A_100 = arith.subi %sign3A_96, %sign3A_99 : i32
      %sign3A_101 = arith.constant 0 : i32
      %sign3A_102 = arith.cmpi sgt, %jit3A_92, %sign3A_101 : i32
      %sign3A_103 = arith.extui %sign3A_102 : i1 to i32
      %sign3A_104 = arith.constant 0 : i32
      %sign3A_105 = arith.cmpi slt, %jit3A_92, %sign3A_104 : i32
      %sign3A_106 = arith.extui %sign3A_105 : i1 to i32
      %sign3A_107 = arith.subi %sign3A_103, %sign3A_106 : i32
      %ne3A_108 = arith.cmpi ne, %sign3A_100, %sign3A_107 : i32
      %rem3A_109 = arith.remsi %add3A_91, %jit3A_92 : i32
      %ne3A_110 = arith.constant 0 : i32
      %ne3A_111 = arith.cmpi ne, %rem3A_109, %ne3A_110 : i32
      %and3A_112 = arith.andi %ne3A_108, %ne3A_111 : i1
      %sub3A_113 = arith.constant 1 : i32
      %sub3A_114 = arith.subi %div3A_93, %sub3A_113 : i32
      %select_n3A_115 = arith.select %and3A_112, %sub3A_114, %div3A_93 : i32
      %mul3A_116 = arith.constant 16 : i32
      %mul3A_117 = arith.muli %select_n3A_115, %mul3A_116 : i32
      %sub3A_118 = arith.subi %add3A_91, %mul3A_117 : i32
      %sub3A_119 = arith.subi %select_n3A_115, %select_n3A : i32
      %mul3A_120 = arith.constant 128 : i32
      %mul3A_121 = arith.muli %scan3A_63, %mul3A_120 : i32
      %dma_start3A = tpu.memref_slice %arg6[%mul3A_121] : memref<32768xf32, #tpu.memory_space<vmem>> -> memref<128xf32, #tpu.memory_space<vmem>>
      %dma_start3A_122 = arith.constant 0 : i32
      %dma_start3A_123 = arith.constant 0 : i32
      %dma_start3A_124 = tpu.memref_slice %arg5[%sub3A_119, %dma_start3A_122, %dma_start3A_123] : memref<2x32x128xi32, #tpu.memory_space<vmem>> -> memref<1x32x128xi32, #tpu.memory_space<vmem>>
      %dma_start3A_125 = tpu.memref_squeeze %dma_start3A_124 : memref<1x32x128xi32, #tpu.memory_space<vmem>> -> memref<32x128xi32, #tpu.memory_space<vmem>>
      %dma_start3A_126 = arith.constant 0 : i32
      %dma_start3A_127 = tpu.memref_slice %dma_start3A_125[%sub3A_90, %dma_start3A_126] : memref<32x128xi32, #tpu.memory_space<vmem>> -> memref<1x128xi32, #tpu.memory_space<vmem>>
      %dma_start3A_128 = tpu.memref_squeeze %dma_start3A_127 : memref<1x128xi32, #tpu.memory_space<vmem>> -> memref<128xi32, #tpu.memory_space<vmem>>
      %dma_start3A_129 = arith.constant 0 : i32
      %dma_start3A_130 = arith.constant 0 : i32
      %dma_start3A_131 = tpu.memref_slice %arg2[%select_n3A_115, %dma_start3A_129, %dma_start3A_130] : memref<16x16x100000xf32, #tpu.memory_space<hbm>> -> memref<1x16x100000xf32, #tpu.memory_space<hbm>>
      %dma_start3A_132 = tpu.memref_squeeze %dma_start3A_131 : memref<1x16x100000xf32, #tpu.memory_space<hbm>> -> memref<16x100000xf32, #tpu.memory_space<hbm>>
      %dma_start3A_133 = arith.constant 0 : i32
      %dma_start3A_134 = tpu.memref_slice %dma_start3A_132[%sub3A_118, %dma_start3A_133] : memref<16x100000xf32, #tpu.memory_space<hbm>> -> memref<1x100000xf32, #tpu.memory_space<hbm>>
      %dma_start3A_135 = tpu.memref_squeeze %dma_start3A_134 : memref<1x100000xf32, #tpu.memory_space<hbm>> -> memref<100000xf32, #tpu.memory_space<hbm>>
      %dma_start3A_136 = arith.constant 0 : i32
      %dma_start3A_137 = tpu.memref_slice %dma_start3A_135[%dma_start3A_136] : memref<100000xf32, #tpu.memory_space<hbm>> -> memref<100000xf32, #tpu.memory_space<hbm>>
      tpu.enqueue_indirect_dma source(%dma_start3A_137 : memref<100000xf32, #tpu.memory_space<hbm>>) target(%dma_start3A : memref<128xf32, #tpu.memory_space<vmem>>) offsets(%dma_start3A_128 : memref<128xi32, #tpu.memory_space<vmem>>) semaphore(%arg7 : memref<!tpu.dma_semaphore, #tpu.memory_space<semaphore_mem>>)
      %ge3A = arith.constant 48 : i32
      %ge3A_138 = arith.cmpi sge, %scan3A_63, %ge3A : i32
      %convert_element_type3A = arith.extui %ge3A_138 : i1 to i32
      %cond3A = arith.constant 0 : i32
      %cond3A_139 = arith.cmpi ne, %convert_element_type3A, %cond3A : i32
      scf.if %cond3A_139 {
        %sub3A_140 = arith.constant 48 : i32
        %sub3A_141 = arith.subi %scan3A_63, %sub3A_140 : i32
        %jit3A_142 = arith.constant 32 : i32
        %div3A_143 = arith.divsi %sub3A_141, %jit3A_142 : i32
        %sign3A_144 = arith.constant 0 : i32
        %sign3A_145 = arith.cmpi sgt, %sub3A_141, %sign3A_144 : i32
        %sign3A_146 = arith.extui %sign3A_145 : i1 to i32
        %sign3A_147 = arith.constant 0 : i32
        %sign3A_148 = arith.cmpi slt, %sub3A_141, %sign3A_147 : i32
        %sign3A_149 = arith.extui %sign3A_148 : i1 to i32
        %sign3A_150 = arith.subi %sign3A_146, %sign3A_149 : i32
        %sign3A_151 = arith.constant 0 : i32
        %sign3A_152 = arith.cmpi sgt, %jit3A_142, %sign3A_151 : i32
        %sign3A_153 = arith.extui %sign3A_152 : i1 to i32
        %sign3A_154 = arith.constant 0 : i32
        %sign3A_155 = arith.cmpi slt, %jit3A_142, %sign3A_154 : i32
        %sign3A_156 = arith.extui %sign3A_155 : i1 to i32
        %sign3A_157 = arith.subi %sign3A_153, %sign3A_156 : i32
        %ne3A_158 = arith.cmpi ne, %sign3A_150, %sign3A_157 : i32
        %rem3A_159 = arith.remsi %sub3A_141, %jit3A_142 : i32
        %ne3A_160 = arith.constant 0 : i32
        %ne3A_161 = arith.cmpi ne, %rem3A_159, %ne3A_160 : i32
        %and3A_162 = arith.andi %ne3A_158, %ne3A_161 : i1
        %sub3A_163 = arith.constant 1 : i32
        %sub3A_164 = arith.subi %div3A_143, %sub3A_163 : i32
        %select_n3A_165 = arith.select %and3A_162, %sub3A_164, %div3A_143 : i32
        %mul3A_166 = arith.constant 32 : i32
        %mul3A_167 = arith.muli %select_n3A_165, %mul3A_166 : i32
        %sub3A_168 = arith.subi %sub3A_141, %mul3A_167 : i32
        %add3A_169 = arith.addi %mul3A_2, %select_n3A_165 : i32
        %jit3A_170 = arith.constant 16 : i32
        %div3A_171 = arith.divsi %add3A_169, %jit3A_170 : i32
        %sign3A_172 = arith.constant 0 : i32
        %sign3A_173 = arith.cmpi sgt, %add3A_169, %sign3A_172 : i32
        %sign3A_174 = arith.extui %sign3A_173 : i1 to i32
        %sign3A_175 = arith.constant 0 : i32
        %sign3A_176 = arith.cmpi slt, %add3A_169, %sign3A_175 : i32
        %sign3A_177 = arith.extui %sign3A_176 : i1 to i32
        %sign3A_178 = arith.subi %sign3A_174, %sign3A_177 : i32
        %sign3A_179 = arith.constant 0 : i32
        %sign3A_180 = arith.cmpi sgt, %jit3A_170, %sign3A_179 : i32
        %sign3A_181 = arith.extui %sign3A_180 : i1 to i32
        %sign3A_182 = arith.constant 0 : i32
        %sign3A_183 = arith.cmpi slt, %jit3A_170, %sign3A_182 : i32
        %sign3A_184 = arith.extui %sign3A_183 : i1 to i32
        %sign3A_185 = arith.subi %sign3A_181, %sign3A_184 : i32
        %ne3A_186 = arith.cmpi ne, %sign3A_178, %sign3A_185 : i32
        %rem3A_187 = arith.remsi %add3A_169, %jit3A_170 : i32
        %ne3A_188 = arith.constant 0 : i32
        %ne3A_189 = arith.cmpi ne, %rem3A_187, %ne3A_188 : i32
        %and3A_190 = arith.andi %ne3A_186, %ne3A_189 : i1
        %sub3A_191 = arith.constant 1 : i32
        %sub3A_192 = arith.subi %div3A_171, %sub3A_191 : i32
        %select_n3A_193 = arith.select %and3A_190, %sub3A_192, %div3A_171 : i32
        %mul3A_194 = arith.constant 16 : i32
        %mul3A_195 = arith.muli %select_n3A_193, %mul3A_194 : i32
        %sub3A_196 = arith.subi %add3A_169, %mul3A_195 : i32
        %sub3A_197 = arith.subi %select_n3A_193, %select_n3A : i32
        %mul3A_198 = arith.constant 128 : i32
        %mul3A_199 = arith.muli %sub3A_141, %mul3A_198 : i32
        %dma_wait3A = tpu.memref_slice %arg6[%mul3A_199] : memref<32768xf32, #tpu.memory_space<vmem>> -> memref<128xf32, #tpu.memory_space<vmem>>
        %dma_wait3A_200 = arith.constant 0 : i32
        %dma_wait3A_201 = arith.constant 0 : i32
        %dma_wait3A_202 = tpu.memref_slice %arg5[%sub3A_197, %dma_wait3A_200, %dma_wait3A_201] : memref<2x32x128xi32, #tpu.memory_space<vmem>> -> memref<1x32x128xi32, #tpu.memory_space<vmem>>
        %dma_wait3A_203 = tpu.memref_squeeze %dma_wait3A_202 : memref<1x32x128xi32, #tpu.memory_space<vmem>> -> memref<32x128xi32, #tpu.memory_space<vmem>>
        %dma_wait3A_204 = arith.constant 0 : i32
        %dma_wait3A_205 = tpu.memref_slice %dma_wait3A_203[%sub3A_168, %dma_wait3A_204] : memref<32x128xi32, #tpu.memory_space<vmem>> -> memref<1x128xi32, #tpu.memory_space<vmem>>
        %dma_wait3A_206 = tpu.memref_squeeze %dma_wait3A_205 : memref<1x128xi32, #tpu.memory_space<vmem>> -> memref<128xi32, #tpu.memory_space<vmem>>
        %dma_wait3A_207 = arith.constant 0 : i32
        %dma_wait3A_208 = arith.constant 0 : i32
        %dma_wait3A_209 = tpu.memref_slice %arg2[%select_n3A_193, %dma_wait3A_207, %dma_wait3A_208] : memref<16x16x100000xf32, #tpu.memory_space<hbm>> -> memref<1x16x100000xf32, #tpu.memory_space<hbm>>
        %dma_wait3A_210 = tpu.memref_squeeze %dma_wait3A_209 : memref<1x16x100000xf32, #tpu.memory_space<hbm>> -> memref<16x100000xf32, #tpu.memory_space<hbm>>
        %dma_wait3A_211 = arith.constant 0 : i32
        %dma_wait3A_212 = tpu.memref_slice %dma_wait3A_210[%sub3A_196, %dma_wait3A_211] : memref<16x100000xf32, #tpu.memory_space<hbm>> -> memref<1x100000xf32, #tpu.memory_space<hbm>>
        %dma_wait3A_213 = tpu.memref_squeeze %dma_wait3A_212 : memref<1x100000xf32, #tpu.memory_space<hbm>> -> memref<100000xf32, #tpu.memory_space<hbm>>
        %dma_wait3A_214 = arith.constant 0 : i32
        %dma_wait3A_215 = tpu.memref_slice %dma_wait3A_213[%dma_wait3A_214] : memref<100000xf32, #tpu.memory_space<hbm>> -> memref<100000xf32, #tpu.memory_space<hbm>>
        tpu.wait_indirect_dma semaphore(%arg7 : memref<!tpu.dma_semaphore, #tpu.memory_space<semaphore_mem>>) src(%dma_wait3A_215 : memref<100000xf32, #tpu.memory_space<hbm>>) dst(%dma_wait3A : memref<128xf32, #tpu.memory_space<vmem>>)
      } else {
      }
    }
    %scan3A_52 = arith.constant 256 : i32
    %scan3A_53 = arith.constant 0 : i32
    %scan3A_54 = arith.constant 208 : i32
    %scan3A_55 = arith.constant 48 : i32
    %scan3A_56 = arith.addi %scan3A_54, %scan3A_55 : i32
    %scan3A_57 = arith.constant 1 : i32
    scf.for %scan3A_63 = %scan3A_54 to %scan3A_56 step %scan3A_57  : i32 {
      %jit3A_64 = arith.constant 32 : i32
      %div3A_65 = arith.divsi %scan3A_63, %jit3A_64 : i32
      %sign3A_66 = arith.constant 0 : i32
      %sign3A_67 = arith.cmpi sgt, %scan3A_63, %sign3A_66 : i32
      %sign3A_68 = arith.extui %sign3A_67 : i1 to i32
      %sign3A_69 = arith.constant 0 : i32
      %sign3A_70 = arith.cmpi slt, %scan3A_63, %sign3A_69 : i32
      %sign3A_71 = arith.extui %sign3A_70 : i1 to i32
      %sign3A_72 = arith.subi %sign3A_68, %sign3A_71 : i32
      %sign3A_73 = arith.constant 0 : i32
      %sign3A_74 = arith.cmpi sgt, %jit3A_64, %sign3A_73 : i32
      %sign3A_75 = arith.extui %sign3A_74 : i1 to i32
      %sign3A_76 = arith.constant 0 : i32
      %sign3A_77 = arith.cmpi slt, %jit3A_64, %sign3A_76 : i32
      %sign3A_78 = arith.extui %sign3A_77 : i1 to i32
      %sign3A_79 = arith.subi %sign3A_75, %sign3A_78 : i32
      %ne3A_80 = arith.cmpi ne, %sign3A_72, %sign3A_79 : i32
      %rem3A_81 = arith.remsi %scan3A_63, %jit3A_64 : i32
      %ne3A_82 = arith.constant 0 : i32
      %ne3A_83 = arith.cmpi ne, %rem3A_81, %ne3A_82 : i32
      %and3A_84 = arith.andi %ne3A_80, %ne3A_83 : i1
      %sub3A_85 = arith.constant 1 : i32
      %sub3A_86 = arith.subi %div3A_65, %sub3A_85 : i32
      %select_n3A_87 = arith.select %and3A_84, %sub3A_86, %div3A_65 : i32
      %mul3A_88 = arith.constant 32 : i32
      %mul3A_89 = arith.muli %select_n3A_87, %mul3A_88 : i32
      %sub3A_90 = arith.subi %scan3A_63, %mul3A_89 : i32
      %add3A_91 = arith.addi %mul3A_2, %select_n3A_87 : i32
      %jit3A_92 = arith.constant 16 : i32
      %div3A_93 = arith.divsi %add3A_91, %jit3A_92 : i32
      %sign3A_94 = arith.constant 0 : i32
      %sign3A_95 = arith.cmpi sgt, %add3A_91, %sign3A_94 : i32
      %sign3A_96 = arith.extui %sign3A_95 : i1 to i32
      %sign3A_97 = arith.constant 0 : i32
      %sign3A_98 = arith.cmpi slt, %add3A_91, %sign3A_97 : i32
      %sign3A_99 = arith.extui %sign3A_98 : i1 to i32
      %sign3A_100 = arith.subi %sign3A_96, %sign3A_99 : i32
      %sign3A_101 = arith.constant 0 : i32
      %sign3A_102 = arith.cmpi sgt, %jit3A_92, %sign3A_101 : i32
      %sign3A_103 = arith.extui %sign3A_102 : i1 to i32
      %sign3A_104 = arith.constant 0 : i32
      %sign3A_105 = arith.cmpi slt, %jit3A_92, %sign3A_104 : i32
      %sign3A_106 = arith.extui %sign3A_105 : i1 to i32
      %sign3A_107 = arith.subi %sign3A_103, %sign3A_106 : i32
      %ne3A_108 = arith.cmpi ne, %sign3A_100, %sign3A_107 : i32
      %rem3A_109 = arith.remsi %add3A_91, %jit3A_92 : i32
      %ne3A_110 = arith.constant 0 : i32
      %ne3A_111 = arith.cmpi ne, %rem3A_109, %ne3A_110 : i32
      %and3A_112 = arith.andi %ne3A_108, %ne3A_111 : i1
      %sub3A_113 = arith.constant 1 : i32
      %sub3A_114 = arith.subi %div3A_93, %sub3A_113 : i32
      %select_n3A_115 = arith.select %and3A_112, %sub3A_114, %div3A_93 : i32
      %mul3A_116 = arith.constant 16 : i32
      %mul3A_117 = arith.muli %select_n3A_115, %mul3A_116 : i32
      %sub3A_118 = arith.subi %add3A_91, %mul3A_117 : i32
      %sub3A_119 = arith.subi %select_n3A_115, %select_n3A : i32
      %mul3A_120 = arith.constant 128 : i32
      %mul3A_121 = arith.muli %scan3A_63, %mul3A_120 : i32
      %dma_wait3A = tpu.memref_slice %arg6[%mul3A_121] : memref<32768xf32, #tpu.memory_space<vmem>> -> memref<128xf32, #tpu.memory_space<vmem>>
      %dma_wait3A_122 = arith.constant 0 : i32
      %dma_wait3A_123 = arith.constant 0 : i32
      %dma_wait3A_124 = tpu.memref_slice %arg5[%sub3A_119, %dma_wait3A_122, %dma_wait3A_123] : memref<2x32x128xi32, #tpu.memory_space<vmem>> -> memref<1x32x128xi32, #tpu.memory_space<vmem>>
      %dma_wait3A_125 = tpu.memref_squeeze %dma_wait3A_124 : memref<1x32x128xi32, #tpu.memory_space<vmem>> -> memref<32x128xi32, #tpu.memory_space<vmem>>
      %dma_wait3A_126 = arith.constant 0 : i32
      %dma_wait3A_127 = tpu.memref_slice %dma_wait3A_125[%sub3A_90, %dma_wait3A_126] : memref<32x128xi32, #tpu.memory_space<vmem>> -> memref<1x128xi32, #tpu.memory_space<vmem>>
      %dma_wait3A_128 = tpu.memref_squeeze %dma_wait3A_127 : memref<1x128xi32, #tpu.memory_space<vmem>> -> memref<128xi32, #tpu.memory_space<vmem>>
      %dma_wait3A_129 = arith.constant 0 : i32
      %dma_wait3A_130 = arith.constant 0 : i32
      %dma_wait3A_131 = tpu.memref_slice %arg2[%select_n3A_115, %dma_wait3A_129, %dma_wait3A_130] : memref<16x16x100000xf32, #tpu.memory_space<hbm>> -> memref<1x16x100000xf32, #tpu.memory_space<hbm>>
      %dma_wait3A_132 = tpu.memref_squeeze %dma_wait3A_131 : memref<1x16x100000xf32, #tpu.memory_space<hbm>> -> memref<16x100000xf32, #tpu.memory_space<hbm>>
      %dma_wait3A_133 = arith.constant 0 : i32
      %dma_wait3A_134 = tpu.memref_slice %dma_wait3A_132[%sub3A_118, %dma_wait3A_133] : memref<16x100000xf32, #tpu.memory_space<hbm>> -> memref<1x100000xf32, #tpu.memory_space<hbm>>
      %dma_wait3A_135 = tpu.memref_squeeze %dma_wait3A_134 : memref<1x100000xf32, #tpu.memory_space<hbm>> -> memref<100000xf32, #tpu.memory_space<hbm>>
      %dma_wait3A_136 = arith.constant 0 : i32
      %dma_wait3A_137 = tpu.memref_slice %dma_wait3A_135[%dma_wait3A_136] : memref<100000xf32, #tpu.memory_space<hbm>> -> memref<100000xf32, #tpu.memory_space<hbm>>
      tpu.wait_indirect_dma semaphore(%arg7 : memref<!tpu.dma_semaphore, #tpu.memory_space<semaphore_mem>>) src(%dma_wait3A_137 : memref<100000xf32, #tpu.memory_space<hbm>>) dst(%dma_wait3A : memref<128xf32, #tpu.memory_space<vmem>>)
    }
    %scan3A_58 = arith.constant 48 : i32
    %mul3A_59 = arith.constant 256 : i32
    %mul3A_60 = arith.muli %add3A, %mul3A_59 : i32
    %mul3A_61 = arith.constant 128 : i32
    %mul3A_62 = arith.muli %mul3A_60, %mul3A_61 : i32
    "tpu.region"() ({
      %run_scoped3A_63 = tpu.sem_alloc : memref<!tpu.dma_semaphore, #tpu.memory_space<semaphore_mem>>
      %dma_start3A = tpu.memref_slice %arg4[%mul3A_62] : memref<1048576xf32, #tpu.memory_space<hbm>> -> memref<32768xf32, #tpu.memory_space<hbm>>
      %dma_start3A_64 = tpu.memref_slice %arg4[%mul3A_62] : memref<1048576xf32, #tpu.memory_space<hbm>> -> memref<32768xf32, #tpu.memory_space<hbm>>
      tpu.enqueue_dma source(%arg6 : memref<32768xf32, #tpu.memory_space<vmem>>) target(%dma_start3A_64 : memref<32768xf32, #tpu.memory_space<hbm>>) target_semaphore(%run_scoped3A_63 : memref<!tpu.dma_semaphore, #tpu.memory_space<semaphore_mem>>)
      %dma_wait3A = tpu.memref_slice %arg4[%mul3A_62] : memref<1048576xf32, #tpu.memory_space<hbm>> -> memref<32768xf32, #tpu.memory_space<hbm>>
      %dma_wait3A_65 = tpu.memref_slice %arg4[%mul3A_62] : memref<1048576xf32, #tpu.memory_space<hbm>> -> memref<32768xf32, #tpu.memory_space<hbm>>
      tpu.wait_dma2 semaphore(%run_scoped3A_63 : memref<!tpu.dma_semaphore, #tpu.memory_space<semaphore_mem>>) src(%arg6 : memref<32768xf32, #tpu.memory_space<vmem>>) dst(%dma_wait3A_65 : memref<32768xf32, #tpu.memory_space<hbm>>)
      tpu.yield
    }) : () -> ()
    return
  }
}

#map = affine_map<(d0, d1) -> (0, 0, 0)>
#map1 = affine_map<(d0, d1) -> (0)>
module attributes {stable_mosaic.version = 14 : i64} {
  func.func @body(%arg0: i32, %arg1: i32, %arg2: memref<10x16x100000xf32, #tpu.memory_space<hbm>>, %arg3: memref<10x32x128xi32, #tpu.memory_space<hbm>>, %arg4: memref<655360xf32, #tpu.memory_space<hbm>>, %arg5: memref<2x32x128xi32, #tpu.memory_space<vmem>>, %arg6: memref<20480xf32, #tpu.memory_space<vmem>>, %arg7: memref<!tpu.dma_semaphore, #tpu.memory_space<semaphore_mem>>) attributes {dimension_semantics = [#tpu.dimension_semantics<core_parallel>, #tpu.dimension_semantics<subcore_parallel>], iteration_bounds = array<i64: 2, 16>, scalar_prefetch = 0 : i64, scratch_operands = 3 : i64, tpu.core_type = #tpu.core_type<sc_vector_subcore>, window_params = [{transform_indices = #map}, {transform_indices = #map}, {transform_indices = #map1}]} {
    %mul3A = arith.constant 2 : i32
    %mul3A_0 = arith.muli %arg1, %mul3A : i32
    %add3A = arith.addi %mul3A_0, %arg0 : i32
    %mul3A_1 = arith.constant 5 : i32
    %mul3A_2 = arith.muli %add3A, %mul3A_1 : i32
    %jit3A = arith.constant 16 : i32
    %div3A = arith.divsi %mul3A_2, %jit3A : i32
    %sign3A = arith.constant 0 : i32
    %sign3A_3 = arith.cmpi sgt, %mul3A_2, %sign3A : i32
    %sign3A_4 = arith.extui %sign3A_3 : i1 to i32
    %sign3A_5 = arith.constant 0 : i32
    %sign3A_6 = arith.cmpi slt, %mul3A_2, %sign3A_5 : i32
    %sign3A_7 = arith.extui %sign3A_6 : i1 to i32
    %sign3A_8 = arith.subi %sign3A_4, %sign3A_7 : i32
    %sign3A_9 = arith.constant 0 : i32
    %sign3A_10 = arith.cmpi sgt, %jit3A, %sign3A_9 : i32
    %sign3A_11 = arith.extui %sign3A_10 : i1 to i32
    %sign3A_12 = arith.constant 0 : i32
    %sign3A_13 = arith.cmpi slt, %jit3A, %sign3A_12 : i32
    %sign3A_14 = arith.extui %sign3A_13 : i1 to i32
    %sign3A_15 = arith.subi %sign3A_11, %sign3A_14 : i32
    %ne3A = arith.cmpi ne, %sign3A_8, %sign3A_15 : i32
    %rem3A = arith.remsi %mul3A_2, %jit3A : i32
    %ne3A_16 = arith.constant 0 : i32
    %ne3A_17 = arith.cmpi ne, %rem3A, %ne3A_16 : i32
    %and3A = arith.andi %ne3A, %ne3A_17 : i1
    %sub3A = arith.constant 1 : i32
    %sub3A_18 = arith.subi %div3A, %sub3A : i32
    %select_n3A = arith.select %and3A, %sub3A_18, %div3A : i32
    %add3A_19 = arith.constant 5 : i32
    %add3A_20 = arith.addi %mul3A_2, %add3A_19 : i32
    %sub3A_21 = arith.constant 1 : i32
    %sub3A_22 = arith.subi %add3A_20, %sub3A_21 : i32
    %jit3A_23 = arith.constant 16 : i32
    %div3A_24 = arith.divsi %sub3A_22, %jit3A_23 : i32
    %sign3A_25 = arith.constant 0 : i32
    %sign3A_26 = arith.cmpi sgt, %sub3A_22, %sign3A_25 : i32
    %sign3A_27 = arith.extui %sign3A_26 : i1 to i32
    %sign3A_28 = arith.constant 0 : i32
    %sign3A_29 = arith.cmpi slt, %sub3A_22, %sign3A_28 : i32
    %sign3A_30 = arith.extui %sign3A_29 : i1 to i32
    %sign3A_31 = arith.subi %sign3A_27, %sign3A_30 : i32
    %sign3A_32 = arith.constant 0 : i32
    %sign3A_33 = arith.cmpi sgt, %jit3A_23, %sign3A_32 : i32
    %sign3A_34 = arith.extui %sign3A_33 : i1 to i32
    %sign3A_35 = arith.constant 0 : i32
    %sign3A_36 = arith.cmpi slt, %jit3A_23, %sign3A_35 : i32
    %sign3A_37 = arith.extui %sign3A_36 : i1 to i32
    %sign3A_38 = arith.subi %sign3A_34, %sign3A_37 : i32
    %ne3A_39 = arith.cmpi ne, %sign3A_31, %sign3A_38 : i32
    %rem3A_40 = arith.remsi %sub3A_22, %jit3A_23 : i32
    %ne3A_41 = arith.constant 0 : i32
    %ne3A_42 = arith.cmpi ne, %rem3A_40, %ne3A_41 : i32
    %and3A_43 = arith.andi %ne3A_39, %ne3A_42 : i1
    %sub3A_44 = arith.constant 1 : i32
    %sub3A_45 = arith.subi %div3A_24, %sub3A_44 : i32
    %select_n3A_46 = arith.select %and3A_43, %sub3A_45, %div3A_24 : i32
    %run_scoped3A = arith.constant 0 : i32
    "tpu.region"() ({
      %run_scoped3A_63 = tpu.sem_alloc : memref<!tpu.dma_semaphore, #tpu.memory_space<semaphore_mem>>
      %dma_start3A = arith.constant 0 : i32
      %dma_start3A_64 = arith.constant 0 : i32
      %dma_start3A_65 = tpu.memref_slice %arg5[%run_scoped3A, %dma_start3A, %dma_start3A_64] : memref<2x32x128xi32, #tpu.memory_space<vmem>> -> memref<1x32x128xi32, #tpu.memory_space<vmem>>
      %dma_start3A_66 = tpu.memref_squeeze %dma_start3A_65 : memref<1x32x128xi32, #tpu.memory_space<vmem>> -> memref<32x128xi32, #tpu.memory_space<vmem>>
      %dma_start3A_67 = arith.constant 0 : i32
      %dma_start3A_68 = arith.constant 0 : i32
      %dma_start3A_69 = tpu.memref_slice %arg3[%select_n3A, %dma_start3A_67, %dma_start3A_68] : memref<10x32x128xi32, #tpu.memory_space<hbm>> -> memref<1x32x128xi32, #tpu.memory_space<hbm>>
      %dma_start3A_70 = tpu.memref_squeeze %dma_start3A_69 : memref<1x32x128xi32, #tpu.memory_space<hbm>> -> memref<32x128xi32, #tpu.memory_space<hbm>>
      %dma_start3A_71 = arith.constant 0 : i32
      %dma_start3A_72 = arith.constant 0 : i32
      %dma_start3A_73 = tpu.memref_slice %arg5[%run_scoped3A, %dma_start3A_71, %dma_start3A_72] : memref<2x32x128xi32, #tpu.memory_space<vmem>> -> memref<1x32x128xi32, #tpu.memory_space<vmem>>
      %dma_start3A_74 = tpu.memref_squeeze %dma_start3A_73 : memref<1x32x128xi32, #tpu.memory_space<vmem>> -> memref<32x128xi32, #tpu.memory_space<vmem>>
      %dma_start3A_75 = arith.constant 0 : i32
      %dma_start3A_76 = arith.constant 0 : i32
      %dma_start3A_77 = tpu.memref_slice %arg3[%select_n3A, %dma_start3A_75, %dma_start3A_76] : memref<10x32x128xi32, #tpu.memory_space<hbm>> -> memref<1x32x128xi32, #tpu.memory_space<hbm>>
      %dma_start3A_78 = tpu.memref_squeeze %dma_start3A_77 : memref<1x32x128xi32, #tpu.memory_space<hbm>> -> memref<32x128xi32, #tpu.memory_space<hbm>>
      tpu.enqueue_dma source(%dma_start3A_78 : memref<32x128xi32, #tpu.memory_space<hbm>>) target(%dma_start3A_74 : memref<32x128xi32, #tpu.memory_space<vmem>>) target_semaphore(%run_scoped3A_63 : memref<!tpu.dma_semaphore, #tpu.memory_space<semaphore_mem>>)
      %dma_wait3A = arith.constant 0 : i32
      %dma_wait3A_79 = arith.constant 0 : i32
      %dma_wait3A_80 = tpu.memref_slice %arg5[%run_scoped3A, %dma_wait3A, %dma_wait3A_79] : memref<2x32x128xi32, #tpu.memory_space<vmem>> -> memref<1x32x128xi32, #tpu.memory_space<vmem>>
      %dma_wait3A_81 = tpu.memref_squeeze %dma_wait3A_80 : memref<1x32x128xi32, #tpu.memory_space<vmem>> -> memref<32x128xi32, #tpu.memory_space<vmem>>
      %dma_wait3A_82 = arith.constant 0 : i32
      %dma_wait3A_83 = arith.constant 0 : i32
      %dma_wait3A_84 = tpu.memref_slice %arg3[%select_n3A, %dma_wait3A_82, %dma_wait3A_83] : memref<10x32x128xi32, #tpu.memory_space<hbm>> -> memref<1x32x128xi32, #tpu.memory_space<hbm>>
      %dma_wait3A_85 = tpu.memref_squeeze %dma_wait3A_84 : memref<1x32x128xi32, #tpu.memory_space<hbm>> -> memref<32x128xi32, #tpu.memory_space<hbm>>
      %dma_wait3A_86 = arith.constant 0 : i32
      %dma_wait3A_87 = arith.constant 0 : i32
      %dma_wait3A_88 = tpu.memref_slice %arg5[%run_scoped3A, %dma_wait3A_86, %dma_wait3A_87] : memref<2x32x128xi32, #tpu.memory_space<vmem>> -> memref<1x32x128xi32, #tpu.memory_space<vmem>>
      %dma_wait3A_89 = tpu.memref_squeeze %dma_wait3A_88 : memref<1x32x128xi32, #tpu.memory_space<vmem>> -> memref<32x128xi32, #tpu.memory_space<vmem>>
      %dma_wait3A_90 = arith.constant 0 : i32
      %dma_wait3A_91 = arith.constant 0 : i32
      %dma_wait3A_92 = tpu.memref_slice %arg3[%select_n3A, %dma_wait3A_90, %dma_wait3A_91] : memref<10x32x128xi32, #tpu.memory_space<hbm>> -> memref<1x32x128xi32, #tpu.memory_space<hbm>>
      %dma_wait3A_93 = tpu.memref_squeeze %dma_wait3A_92 : memref<1x32x128xi32, #tpu.memory_space<hbm>> -> memref<32x128xi32, #tpu.memory_space<hbm>>
      tpu.wait_dma2 semaphore(%run_scoped3A_63 : memref<!tpu.dma_semaphore, #tpu.memory_space<semaphore_mem>>) src(%dma_wait3A_93 : memref<32x128xi32, #tpu.memory_space<hbm>>) dst(%dma_wait3A_89 : memref<32x128xi32, #tpu.memory_space<vmem>>)
      tpu.yield
    }) : () -> ()
    %run_scoped3A_47 = arith.constant 1 : i32
    "tpu.region"() ({
      %run_scoped3A_63 = tpu.sem_alloc : memref<!tpu.dma_semaphore, #tpu.memory_space<semaphore_mem>>
      %dma_start3A = arith.constant 0 : i32
      %dma_start3A_64 = arith.constant 0 : i32
      %dma_start3A_65 = tpu.memref_slice %arg5[%run_scoped3A_47, %dma_start3A, %dma_start3A_64] : memref<2x32x128xi32, #tpu.memory_space<vmem>> -> memref<1x32x128xi32, #tpu.memory_space<vmem>>
      %dma_start3A_66 = tpu.memref_squeeze %dma_start3A_65 : memref<1x32x128xi32, #tpu.memory_space<vmem>> -> memref<32x128xi32, #tpu.memory_space<vmem>>
      %dma_start3A_67 = arith.constant 0 : i32
      %dma_start3A_68 = arith.constant 0 : i32
      %dma_start3A_69 = tpu.memref_slice %arg3[%select_n3A_46, %dma_start3A_67, %dma_start3A_68] : memref<10x32x128xi32, #tpu.memory_space<hbm>> -> memref<1x32x128xi32, #tpu.memory_space<hbm>>
      %dma_start3A_70 = tpu.memref_squeeze %dma_start3A_69 : memref<1x32x128xi32, #tpu.memory_space<hbm>> -> memref<32x128xi32, #tpu.memory_space<hbm>>
      %dma_start3A_71 = arith.constant 0 : i32
      %dma_start3A_72 = arith.constant 0 : i32
      %dma_start3A_73 = tpu.memref_slice %arg5[%run_scoped3A_47, %dma_start3A_71, %dma_start3A_72] : memref<2x32x128xi32, #tpu.memory_space<vmem>> -> memref<1x32x128xi32, #tpu.memory_space<vmem>>
      %dma_start3A_74 = tpu.memref_squeeze %dma_start3A_73 : memref<1x32x128xi32, #tpu.memory_space<vmem>> -> memref<32x128xi32, #tpu.memory_space<vmem>>
      %dma_start3A_75 = arith.constant 0 : i32
      %dma_start3A_76 = arith.constant 0 : i32
      %dma_start3A_77 = tpu.memref_slice %arg3[%select_n3A_46, %dma_start3A_75, %dma_start3A_76] : memref<10x32x128xi32, #tpu.memory_space<hbm>> -> memref<1x32x128xi32, #tpu.memory_space<hbm>>
      %dma_start3A_78 = tpu.memref_squeeze %dma_start3A_77 : memref<1x32x128xi32, #tpu.memory_space<hbm>> -> memref<32x128xi32, #tpu.memory_space<hbm>>
      tpu.enqueue_dma source(%dma_start3A_78 : memref<32x128xi32, #tpu.memory_space<hbm>>) target(%dma_start3A_74 : memref<32x128xi32, #tpu.memory_space<vmem>>) target_semaphore(%run_scoped3A_63 : memref<!tpu.dma_semaphore, #tpu.memory_space<semaphore_mem>>)
      %dma_wait3A = arith.constant 0 : i32
      %dma_wait3A_79 = arith.constant 0 : i32
      %dma_wait3A_80 = tpu.memref_slice %arg5[%run_scoped3A_47, %dma_wait3A, %dma_wait3A_79] : memref<2x32x128xi32, #tpu.memory_space<vmem>> -> memref<1x32x128xi32, #tpu.memory_space<vmem>>
      %dma_wait3A_81 = tpu.memref_squeeze %dma_wait3A_80 : memref<1x32x128xi32, #tpu.memory_space<vmem>> -> memref<32x128xi32, #tpu.memory_space<vmem>>
      %dma_wait3A_82 = arith.constant 0 : i32
      %dma_wait3A_83 = arith.constant 0 : i32
      %dma_wait3A_84 = tpu.memref_slice %arg3[%select_n3A_46, %dma_wait3A_82, %dma_wait3A_83] : memref<10x32x128xi32, #tpu.memory_space<hbm>> -> memref<1x32x128xi32, #tpu.memory_space<hbm>>
      %dma_wait3A_85 = tpu.memref_squeeze %dma_wait3A_84 : memref<1x32x128xi32, #tpu.memory_space<hbm>> -> memref<32x128xi32, #tpu.memory_space<hbm>>
      %dma_wait3A_86 = arith.constant 0 : i32
      %dma_wait3A_87 = arith.constant 0 : i32
      %dma_wait3A_88 = tpu.memref_slice %arg5[%run_scoped3A_47, %dma_wait3A_86, %dma_wait3A_87] : memref<2x32x128xi32, #tpu.memory_space<vmem>> -> memref<1x32x128xi32, #tpu.memory_space<vmem>>
      %dma_wait3A_89 = tpu.memref_squeeze %dma_wait3A_88 : memref<1x32x128xi32, #tpu.memory_space<vmem>> -> memref<32x128xi32, #tpu.memory_space<vmem>>
      %dma_wait3A_90 = arith.constant 0 : i32
      %dma_wait3A_91 = arith.constant 0 : i32
      %dma_wait3A_92 = tpu.memref_slice %arg3[%select_n3A_46, %dma_wait3A_90, %dma_wait3A_91] : memref<10x32x128xi32, #tpu.memory_space<hbm>> -> memref<1x32x128xi32, #tpu.memory_space<hbm>>
      %dma_wait3A_93 = tpu.memref_squeeze %dma_wait3A_92 : memref<1x32x128xi32, #tpu.memory_space<hbm>> -> memref<32x128xi32, #tpu.memory_space<hbm>>
      tpu.wait_dma2 semaphore(%run_scoped3A_63 : memref<!tpu.dma_semaphore, #tpu.memory_space<semaphore_mem>>) src(%dma_wait3A_93 : memref<32x128xi32, #tpu.memory_space<hbm>>) dst(%dma_wait3A_89 : memref<32x128xi32, #tpu.memory_space<vmem>>)
      tpu.yield
    }) : () -> ()
    %scan3A = arith.constant 0 : i32
    %scan3A_48 = arith.constant 0 : i32
    %scan3A_49 = arith.constant 160 : i32
    %scan3A_50 = arith.addi %scan3A_48, %scan3A_49 : i32
    %scan3A_51 = arith.constant 1 : i32
    scf.for %scan3A_63 = %scan3A_48 to %scan3A_50 step %scan3A_51  : i32 {
      %jit3A_64 = arith.constant 32 : i32
      %div3A_65 = arith.divsi %scan3A_63, %jit3A_64 : i32
      %sign3A_66 = arith.constant 0 : i32
      %sign3A_67 = arith.cmpi sgt, %scan3A_63, %sign3A_66 : i32
      %sign3A_68 = arith.extui %sign3A_67 : i1 to i32
      %sign3A_69 = arith.constant 0 : i32
      %sign3A_70 = arith.cmpi slt, %scan3A_63, %sign3A_69 : i32
      %sign3A_71 = arith.extui %sign3A_70 : i1 to i32
      %sign3A_72 = arith.subi %sign3A_68, %sign3A_71 : i32
      %sign3A_73 = arith.constant 0 : i32
      %sign3A_74 = arith.cmpi sgt, %jit3A_64, %sign3A_73 : i32
      %sign3A_75 = arith.extui %sign3A_74 : i1 to i32
      %sign3A_76 = arith.constant 0 : i32
      %sign3A_77 = arith.cmpi slt, %jit3A_64, %sign3A_76 : i32
      %sign3A_78 = arith.extui %sign3A_77 : i1 to i32
      %sign3A_79 = arith.subi %sign3A_75, %sign3A_78 : i32
      %ne3A_80 = arith.cmpi ne, %sign3A_72, %sign3A_79 : i32
      %rem3A_81 = arith.remsi %scan3A_63, %jit3A_64 : i32
      %ne3A_82 = arith.constant 0 : i32
      %ne3A_83 = arith.cmpi ne, %rem3A_81, %ne3A_82 : i32
      %and3A_84 = arith.andi %ne3A_80, %ne3A_83 : i1
      %sub3A_85 = arith.constant 1 : i32
      %sub3A_86 = arith.subi %div3A_65, %sub3A_85 : i32
      %select_n3A_87 = arith.select %and3A_84, %sub3A_86, %div3A_65 : i32
      %mul3A_88 = arith.constant 32 : i32
      %mul3A_89 = arith.muli %select_n3A_87, %mul3A_88 : i32
      %sub3A_90 = arith.subi %scan3A_63, %mul3A_89 : i32
      %add3A_91 = arith.addi %mul3A_2, %select_n3A_87 : i32
      %jit3A_92 = arith.constant 16 : i32
      %div3A_93 = arith.divsi %add3A_91, %jit3A_92 : i32
      %sign3A_94 = arith.constant 0 : i32
      %sign3A_95 = arith.cmpi sgt, %add3A_91, %sign3A_94 : i32
      %sign3A_96 = arith.extui %sign3A_95 : i1 to i32
      %sign3A_97 = arith.constant 0 : i32
      %sign3A_98 = arith.cmpi slt, %add3A_91, %sign3A_97 : i32
      %sign3A_99 = arith.extui %sign3A_98 : i1 to i32
      %sign3A_100 = arith.subi %sign3A_96, %sign3A_99 : i32
      %sign3A_101 = arith.constant 0 : i32
      %sign3A_102 = arith.cmpi sgt, %jit3A_92, %sign3A_101 : i32
      %sign3A_103 = arith.extui %sign3A_102 : i1 to i32
      %sign3A_104 = arith.constant 0 : i32
      %sign3A_105 = arith.cmpi slt, %jit3A_92, %sign3A_104 : i32
      %sign3A_106 = arith.extui %sign3A_105 : i1 to i32
      %sign3A_107 = arith.subi %sign3A_103, %sign3A_106 : i32
      %ne3A_108 = arith.cmpi ne, %sign3A_100, %sign3A_107 : i32
      %rem3A_109 = arith.remsi %add3A_91, %jit3A_92 : i32
      %ne3A_110 = arith.constant 0 : i32
      %ne3A_111 = arith.cmpi ne, %rem3A_109, %ne3A_110 : i32
      %and3A_112 = arith.andi %ne3A_108, %ne3A_111 : i1
      %sub3A_113 = arith.constant 1 : i32
      %sub3A_114 = arith.subi %div3A_93, %sub3A_113 : i32
      %select_n3A_115 = arith.select %and3A_112, %sub3A_114, %div3A_93 : i32
      %mul3A_116 = arith.constant 16 : i32
      %mul3A_117 = arith.muli %select_n3A_115, %mul3A_116 : i32
      %sub3A_118 = arith.subi %add3A_91, %mul3A_117 : i32
      %sub3A_119 = arith.subi %select_n3A_115, %select_n3A : i32
      %mul3A_120 = arith.constant 128 : i32
      %mul3A_121 = arith.muli %scan3A_63, %mul3A_120 : i32
      %dma_start3A = tpu.memref_slice %arg6[%mul3A_121] : memref<20480xf32, #tpu.memory_space<vmem>> -> memref<128xf32, #tpu.memory_space<vmem>>
      %dma_start3A_122 = arith.constant 0 : i32
      %dma_start3A_123 = arith.constant 0 : i32
      %dma_start3A_124 = tpu.memref_slice %arg5[%sub3A_119, %dma_start3A_122, %dma_start3A_123] : memref<2x32x128xi32, #tpu.memory_space<vmem>> -> memref<1x32x128xi32, #tpu.memory_space<vmem>>
      %dma_start3A_125 = tpu.memref_squeeze %dma_start3A_124 : memref<1x32x128xi32, #tpu.memory_space<vmem>> -> memref<32x128xi32, #tpu.memory_space<vmem>>
      %dma_start3A_126 = arith.constant 0 : i32
      %dma_start3A_127 = tpu.memref_slice %dma_start3A_125[%sub3A_90, %dma_start3A_126] : memref<32x128xi32, #tpu.memory_space<vmem>> -> memref<1x128xi32, #tpu.memory_space<vmem>>
      %dma_start3A_128 = tpu.memref_squeeze %dma_start3A_127 : memref<1x128xi32, #tpu.memory_space<vmem>> -> memref<128xi32, #tpu.memory_space<vmem>>
      %dma_start3A_129 = arith.constant 0 : i32
      %dma_start3A_130 = arith.constant 0 : i32
      %dma_start3A_131 = tpu.memref_slice %arg2[%select_n3A_115, %dma_start3A_129, %dma_start3A_130] : memref<10x16x100000xf32, #tpu.memory_space<hbm>> -> memref<1x16x100000xf32, #tpu.memory_space<hbm>>
      %dma_start3A_132 = tpu.memref_squeeze %dma_start3A_131 : memref<1x16x100000xf32, #tpu.memory_space<hbm>> -> memref<16x100000xf32, #tpu.memory_space<hbm>>
      %dma_start3A_133 = arith.constant 0 : i32
      %dma_start3A_134 = tpu.memref_slice %dma_start3A_132[%sub3A_118, %dma_start3A_133] : memref<16x100000xf32, #tpu.memory_space<hbm>> -> memref<1x100000xf32, #tpu.memory_space<hbm>>
      %dma_start3A_135 = tpu.memref_squeeze %dma_start3A_134 : memref<1x100000xf32, #tpu.memory_space<hbm>> -> memref<100000xf32, #tpu.memory_space<hbm>>
      %dma_start3A_136 = arith.constant 0 : i32
      %dma_start3A_137 = tpu.memref_slice %dma_start3A_135[%dma_start3A_136] : memref<100000xf32, #tpu.memory_space<hbm>> -> memref<100000xf32, #tpu.memory_space<hbm>>
      tpu.enqueue_indirect_dma source(%dma_start3A_137 : memref<100000xf32, #tpu.memory_space<hbm>>) target(%dma_start3A : memref<128xf32, #tpu.memory_space<vmem>>) offsets(%dma_start3A_128 : memref<128xi32, #tpu.memory_space<vmem>>) semaphore(%arg7 : memref<!tpu.dma_semaphore, #tpu.memory_space<semaphore_mem>>)
      %ge3A = arith.constant 48 : i32
      %ge3A_138 = arith.cmpi sge, %scan3A_63, %ge3A : i32
      %convert_element_type3A = arith.extui %ge3A_138 : i1 to i32
      %cond3A = arith.constant 0 : i32
      %cond3A_139 = arith.cmpi ne, %convert_element_type3A, %cond3A : i32
      scf.if %cond3A_139 {
        %sub3A_140 = arith.constant 48 : i32
        %sub3A_141 = arith.subi %scan3A_63, %sub3A_140 : i32
        %jit3A_142 = arith.constant 32 : i32
        %div3A_143 = arith.divsi %sub3A_141, %jit3A_142 : i32
        %sign3A_144 = arith.constant 0 : i32
        %sign3A_145 = arith.cmpi sgt, %sub3A_141, %sign3A_144 : i32
        %sign3A_146 = arith.extui %sign3A_145 : i1 to i32
        %sign3A_147 = arith.constant 0 : i32
        %sign3A_148 = arith.cmpi slt, %sub3A_141, %sign3A_147 : i32
        %sign3A_149 = arith.extui %sign3A_148 : i1 to i32
        %sign3A_150 = arith.subi %sign3A_146, %sign3A_149 : i32
        %sign3A_151 = arith.constant 0 : i32
        %sign3A_152 = arith.cmpi sgt, %jit3A_142, %sign3A_151 : i32
        %sign3A_153 = arith.extui %sign3A_152 : i1 to i32
        %sign3A_154 = arith.constant 0 : i32
        %sign3A_155 = arith.cmpi slt, %jit3A_142, %sign3A_154 : i32
        %sign3A_156 = arith.extui %sign3A_155 : i1 to i32
        %sign3A_157 = arith.subi %sign3A_153, %sign3A_156 : i32
        %ne3A_158 = arith.cmpi ne, %sign3A_150, %sign3A_157 : i32
        %rem3A_159 = arith.remsi %sub3A_141, %jit3A_142 : i32
        %ne3A_160 = arith.constant 0 : i32
        %ne3A_161 = arith.cmpi ne, %rem3A_159, %ne3A_160 : i32
        %and3A_162 = arith.andi %ne3A_158, %ne3A_161 : i1
        %sub3A_163 = arith.constant 1 : i32
        %sub3A_164 = arith.subi %div3A_143, %sub3A_163 : i32
        %select_n3A_165 = arith.select %and3A_162, %sub3A_164, %div3A_143 : i32
        %mul3A_166 = arith.constant 32 : i32
        %mul3A_167 = arith.muli %select_n3A_165, %mul3A_166 : i32
        %sub3A_168 = arith.subi %sub3A_141, %mul3A_167 : i32
        %add3A_169 = arith.addi %mul3A_2, %select_n3A_165 : i32
        %jit3A_170 = arith.constant 16 : i32
        %div3A_171 = arith.divsi %add3A_169, %jit3A_170 : i32
        %sign3A_172 = arith.constant 0 : i32
        %sign3A_173 = arith.cmpi sgt, %add3A_169, %sign3A_172 : i32
        %sign3A_174 = arith.extui %sign3A_173 : i1 to i32
        %sign3A_175 = arith.constant 0 : i32
        %sign3A_176 = arith.cmpi slt, %add3A_169, %sign3A_175 : i32
        %sign3A_177 = arith.extui %sign3A_176 : i1 to i32
        %sign3A_178 = arith.subi %sign3A_174, %sign3A_177 : i32
        %sign3A_179 = arith.constant 0 : i32
        %sign3A_180 = arith.cmpi sgt, %jit3A_170, %sign3A_179 : i32
        %sign3A_181 = arith.extui %sign3A_180 : i1 to i32
        %sign3A_182 = arith.constant 0 : i32
        %sign3A_183 = arith.cmpi slt, %jit3A_170, %sign3A_182 : i32
        %sign3A_184 = arith.extui %sign3A_183 : i1 to i32
        %sign3A_185 = arith.subi %sign3A_181, %sign3A_184 : i32
        %ne3A_186 = arith.cmpi ne, %sign3A_178, %sign3A_185 : i32
        %rem3A_187 = arith.remsi %add3A_169, %jit3A_170 : i32
        %ne3A_188 = arith.constant 0 : i32
        %ne3A_189 = arith.cmpi ne, %rem3A_187, %ne3A_188 : i32
        %and3A_190 = arith.andi %ne3A_186, %ne3A_189 : i1
        %sub3A_191 = arith.constant 1 : i32
        %sub3A_192 = arith.subi %div3A_171, %sub3A_191 : i32
        %select_n3A_193 = arith.select %and3A_190, %sub3A_192, %div3A_171 : i32
        %mul3A_194 = arith.constant 16 : i32
        %mul3A_195 = arith.muli %select_n3A_193, %mul3A_194 : i32
        %sub3A_196 = arith.subi %add3A_169, %mul3A_195 : i32
        %sub3A_197 = arith.subi %select_n3A_193, %select_n3A : i32
        %mul3A_198 = arith.constant 128 : i32
        %mul3A_199 = arith.muli %sub3A_141, %mul3A_198 : i32
        %dma_wait3A = tpu.memref_slice %arg6[%mul3A_199] : memref<20480xf32, #tpu.memory_space<vmem>> -> memref<128xf32, #tpu.memory_space<vmem>>
        %dma_wait3A_200 = arith.constant 0 : i32
        %dma_wait3A_201 = arith.constant 0 : i32
        %dma_wait3A_202 = tpu.memref_slice %arg5[%sub3A_197, %dma_wait3A_200, %dma_wait3A_201] : memref<2x32x128xi32, #tpu.memory_space<vmem>> -> memref<1x32x128xi32, #tpu.memory_space<vmem>>
        %dma_wait3A_203 = tpu.memref_squeeze %dma_wait3A_202 : memref<1x32x128xi32, #tpu.memory_space<vmem>> -> memref<32x128xi32, #tpu.memory_space<vmem>>
        %dma_wait3A_204 = arith.constant 0 : i32
        %dma_wait3A_205 = tpu.memref_slice %dma_wait3A_203[%sub3A_168, %dma_wait3A_204] : memref<32x128xi32, #tpu.memory_space<vmem>> -> memref<1x128xi32, #tpu.memory_space<vmem>>
        %dma_wait3A_206 = tpu.memref_squeeze %dma_wait3A_205 : memref<1x128xi32, #tpu.memory_space<vmem>> -> memref<128xi32, #tpu.memory_space<vmem>>
        %dma_wait3A_207 = arith.constant 0 : i32
        %dma_wait3A_208 = arith.constant 0 : i32
        %dma_wait3A_209 = tpu.memref_slice %arg2[%select_n3A_193, %dma_wait3A_207, %dma_wait3A_208] : memref<10x16x100000xf32, #tpu.memory_space<hbm>> -> memref<1x16x100000xf32, #tpu.memory_space<hbm>>
        %dma_wait3A_210 = tpu.memref_squeeze %dma_wait3A_209 : memref<1x16x100000xf32, #tpu.memory_space<hbm>> -> memref<16x100000xf32, #tpu.memory_space<hbm>>
        %dma_wait3A_211 = arith.constant 0 : i32
        %dma_wait3A_212 = tpu.memref_slice %dma_wait3A_210[%sub3A_196, %dma_wait3A_211] : memref<16x100000xf32, #tpu.memory_space<hbm>> -> memref<1x100000xf32, #tpu.memory_space<hbm>>
        %dma_wait3A_213 = tpu.memref_squeeze %dma_wait3A_212 : memref<1x100000xf32, #tpu.memory_space<hbm>> -> memref<100000xf32, #tpu.memory_space<hbm>>
        %dma_wait3A_214 = arith.constant 0 : i32
        %dma_wait3A_215 = tpu.memref_slice %dma_wait3A_213[%dma_wait3A_214] : memref<100000xf32, #tpu.memory_space<hbm>> -> memref<100000xf32, #tpu.memory_space<hbm>>
        tpu.wait_indirect_dma semaphore(%arg7 : memref<!tpu.dma_semaphore, #tpu.memory_space<semaphore_mem>>) src(%dma_wait3A_215 : memref<100000xf32, #tpu.memory_space<hbm>>) dst(%dma_wait3A : memref<128xf32, #tpu.memory_space<vmem>>)
      } else {
      }
    }
    %scan3A_52 = arith.constant 160 : i32
    %scan3A_53 = arith.constant 0 : i32
    %scan3A_54 = arith.constant 112 : i32
    %scan3A_55 = arith.constant 48 : i32
    %scan3A_56 = arith.addi %scan3A_54, %scan3A_55 : i32
    %scan3A_57 = arith.constant 1 : i32
    scf.for %scan3A_63 = %scan3A_54 to %scan3A_56 step %scan3A_57  : i32 {
      %jit3A_64 = arith.constant 32 : i32
      %div3A_65 = arith.divsi %scan3A_63, %jit3A_64 : i32
      %sign3A_66 = arith.constant 0 : i32
      %sign3A_67 = arith.cmpi sgt, %scan3A_63, %sign3A_66 : i32
      %sign3A_68 = arith.extui %sign3A_67 : i1 to i32
      %sign3A_69 = arith.constant 0 : i32
      %sign3A_70 = arith.cmpi slt, %scan3A_63, %sign3A_69 : i32
      %sign3A_71 = arith.extui %sign3A_70 : i1 to i32
      %sign3A_72 = arith.subi %sign3A_68, %sign3A_71 : i32
      %sign3A_73 = arith.constant 0 : i32
      %sign3A_74 = arith.cmpi sgt, %jit3A_64, %sign3A_73 : i32
      %sign3A_75 = arith.extui %sign3A_74 : i1 to i32
      %sign3A_76 = arith.constant 0 : i32
      %sign3A_77 = arith.cmpi slt, %jit3A_64, %sign3A_76 : i32
      %sign3A_78 = arith.extui %sign3A_77 : i1 to i32
      %sign3A_79 = arith.subi %sign3A_75, %sign3A_78 : i32
      %ne3A_80 = arith.cmpi ne, %sign3A_72, %sign3A_79 : i32
      %rem3A_81 = arith.remsi %scan3A_63, %jit3A_64 : i32
      %ne3A_82 = arith.constant 0 : i32
      %ne3A_83 = arith.cmpi ne, %rem3A_81, %ne3A_82 : i32
      %and3A_84 = arith.andi %ne3A_80, %ne3A_83 : i1
      %sub3A_85 = arith.constant 1 : i32
      %sub3A_86 = arith.subi %div3A_65, %sub3A_85 : i32
      %select_n3A_87 = arith.select %and3A_84, %sub3A_86, %div3A_65 : i32
      %mul3A_88 = arith.constant 32 : i32
      %mul3A_89 = arith.muli %select_n3A_87, %mul3A_88 : i32
      %sub3A_90 = arith.subi %scan3A_63, %mul3A_89 : i32
      %add3A_91 = arith.addi %mul3A_2, %select_n3A_87 : i32
      %jit3A_92 = arith.constant 16 : i32
      %div3A_93 = arith.divsi %add3A_91, %jit3A_92 : i32
      %sign3A_94 = arith.constant 0 : i32
      %sign3A_95 = arith.cmpi sgt, %add3A_91, %sign3A_94 : i32
      %sign3A_96 = arith.extui %sign3A_95 : i1 to i32
      %sign3A_97 = arith.constant 0 : i32
      %sign3A_98 = arith.cmpi slt, %add3A_91, %sign3A_97 : i32
      %sign3A_99 = arith.extui %sign3A_98 : i1 to i32
      %sign3A_100 = arith.subi %sign3A_96, %sign3A_99 : i32
      %sign3A_101 = arith.constant 0 : i32
      %sign3A_102 = arith.cmpi sgt, %jit3A_92, %sign3A_101 : i32
      %sign3A_103 = arith.extui %sign3A_102 : i1 to i32
      %sign3A_104 = arith.constant 0 : i32
      %sign3A_105 = arith.cmpi slt, %jit3A_92, %sign3A_104 : i32
      %sign3A_106 = arith.extui %sign3A_105 : i1 to i32
      %sign3A_107 = arith.subi %sign3A_103, %sign3A_106 : i32
      %ne3A_108 = arith.cmpi ne, %sign3A_100, %sign3A_107 : i32
      %rem3A_109 = arith.remsi %add3A_91, %jit3A_92 : i32
      %ne3A_110 = arith.constant 0 : i32
      %ne3A_111 = arith.cmpi ne, %rem3A_109, %ne3A_110 : i32
      %and3A_112 = arith.andi %ne3A_108, %ne3A_111 : i1
      %sub3A_113 = arith.constant 1 : i32
      %sub3A_114 = arith.subi %div3A_93, %sub3A_113 : i32
      %select_n3A_115 = arith.select %and3A_112, %sub3A_114, %div3A_93 : i32
      %mul3A_116 = arith.constant 16 : i32
      %mul3A_117 = arith.muli %select_n3A_115, %mul3A_116 : i32
      %sub3A_118 = arith.subi %add3A_91, %mul3A_117 : i32
      %sub3A_119 = arith.subi %select_n3A_115, %select_n3A : i32
      %mul3A_120 = arith.constant 128 : i32
      %mul3A_121 = arith.muli %scan3A_63, %mul3A_120 : i32
      %dma_wait3A = tpu.memref_slice %arg6[%mul3A_121] : memref<20480xf32, #tpu.memory_space<vmem>> -> memref<128xf32, #tpu.memory_space<vmem>>
      %dma_wait3A_122 = arith.constant 0 : i32
      %dma_wait3A_123 = arith.constant 0 : i32
      %dma_wait3A_124 = tpu.memref_slice %arg5[%sub3A_119, %dma_wait3A_122, %dma_wait3A_123] : memref<2x32x128xi32, #tpu.memory_space<vmem>> -> memref<1x32x128xi32, #tpu.memory_space<vmem>>
      %dma_wait3A_125 = tpu.memref_squeeze %dma_wait3A_124 : memref<1x32x128xi32, #tpu.memory_space<vmem>> -> memref<32x128xi32, #tpu.memory_space<vmem>>
      %dma_wait3A_126 = arith.constant 0 : i32
      %dma_wait3A_127 = tpu.memref_slice %dma_wait3A_125[%sub3A_90, %dma_wait3A_126] : memref<32x128xi32, #tpu.memory_space<vmem>> -> memref<1x128xi32, #tpu.memory_space<vmem>>
      %dma_wait3A_128 = tpu.memref_squeeze %dma_wait3A_127 : memref<1x128xi32, #tpu.memory_space<vmem>> -> memref<128xi32, #tpu.memory_space<vmem>>
      %dma_wait3A_129 = arith.constant 0 : i32
      %dma_wait3A_130 = arith.constant 0 : i32
      %dma_wait3A_131 = tpu.memref_slice %arg2[%select_n3A_115, %dma_wait3A_129, %dma_wait3A_130] : memref<10x16x100000xf32, #tpu.memory_space<hbm>> -> memref<1x16x100000xf32, #tpu.memory_space<hbm>>
      %dma_wait3A_132 = tpu.memref_squeeze %dma_wait3A_131 : memref<1x16x100000xf32, #tpu.memory_space<hbm>> -> memref<16x100000xf32, #tpu.memory_space<hbm>>
      %dma_wait3A_133 = arith.constant 0 : i32
      %dma_wait3A_134 = tpu.memref_slice %dma_wait3A_132[%sub3A_118, %dma_wait3A_133] : memref<16x100000xf32, #tpu.memory_space<hbm>> -> memref<1x100000xf32, #tpu.memory_space<hbm>>
      %dma_wait3A_135 = tpu.memref_squeeze %dma_wait3A_134 : memref<1x100000xf32, #tpu.memory_space<hbm>> -> memref<100000xf32, #tpu.memory_space<hbm>>
      %dma_wait3A_136 = arith.constant 0 : i32
      %dma_wait3A_137 = tpu.memref_slice %dma_wait3A_135[%dma_wait3A_136] : memref<100000xf32, #tpu.memory_space<hbm>> -> memref<100000xf32, #tpu.memory_space<hbm>>
      tpu.wait_indirect_dma semaphore(%arg7 : memref<!tpu.dma_semaphore, #tpu.memory_space<semaphore_mem>>) src(%dma_wait3A_137 : memref<100000xf32, #tpu.memory_space<hbm>>) dst(%dma_wait3A : memref<128xf32, #tpu.memory_space<vmem>>)
    }
    %scan3A_58 = arith.constant 48 : i32
    %mul3A_59 = arith.constant 160 : i32
    %mul3A_60 = arith.muli %add3A, %mul3A_59 : i32
    %mul3A_61 = arith.constant 128 : i32
    %mul3A_62 = arith.muli %mul3A_60, %mul3A_61 : i32
    "tpu.region"() ({
      %run_scoped3A_63 = tpu.sem_alloc : memref<!tpu.dma_semaphore, #tpu.memory_space<semaphore_mem>>
      %dma_start3A = tpu.memref_slice %arg4[%mul3A_62] : memref<655360xf32, #tpu.memory_space<hbm>> -> memref<20480xf32, #tpu.memory_space<hbm>>
      %dma_start3A_64 = tpu.memref_slice %arg4[%mul3A_62] : memref<655360xf32, #tpu.memory_space<hbm>> -> memref<20480xf32, #tpu.memory_space<hbm>>
      tpu.enqueue_dma source(%arg6 : memref<20480xf32, #tpu.memory_space<vmem>>) target(%dma_start3A_64 : memref<20480xf32, #tpu.memory_space<hbm>>) target_semaphore(%run_scoped3A_63 : memref<!tpu.dma_semaphore, #tpu.memory_space<semaphore_mem>>)
      %dma_wait3A = tpu.memref_slice %arg4[%mul3A_62] : memref<655360xf32, #tpu.memory_space<hbm>> -> memref<20480xf32, #tpu.memory_space<hbm>>
      %dma_wait3A_65 = tpu.memref_slice %arg4[%mul3A_62] : memref<655360xf32, #tpu.memory_space<hbm>> -> memref<20480xf32, #tpu.memory_space<hbm>>
      tpu.wait_dma2 semaphore(%run_scoped3A_63 : memref<!tpu.dma_semaphore, #tpu.memory_space<semaphore_mem>>) src(%arg6 : memref<20480xf32, #tpu.memory_space<vmem>>) dst(%dma_wait3A_65 : memref<20480xf32, #tpu.memory_space<hbm>>)
      tpu.yield
    }) : () -> ()
    return
  }
}

</mosaic_0001>

<sc_bundles>
// kernel: _impl.4.cloned.1.call-start
scs
__scs_entry_jumppad:
0x0: {  	(pc) =	sbr.rel $0x88, $3  }
0x1: {  	(tag) =	ssettag $0x0;
	lr =	simm.s32 $0x1  }
0x2: {  	[smem:$0x3F9F] =	sst lr;
	_ =	strace $0xD0000000  }
0x3: {  	_ = 	snop  }
0x4: {  	_ = 	snop  }
0x5: {  	_ = 	snop  }
0x6: {  	_ = 	snop  }
0x7: {  	_ = 	snop  }
__scs_overlays_trampoline_lowered:
0x8: {  	[smem:$0x3FAE] =	sst s0  }
0x9: {  	[smem:$0x3FAF] =	sst s1  }
0xa: {  	[smem:$0x3FB0] =	sst s2  }
0xb: {  	[smem:$0x3FB1] =	sst s3  }
0xc: {  	[smem:$0x3FB2] =	sst s4  }
0xd: {  	[smem:$0x3FB3] =	sst s5  }
0xe: {  	[smem:$0x3FB4] =	sst s6  }
0xf: {  	[smem:$0x3FB5] =	sst s7  }
0x10: {  	[smem:$0x3FB6] =	sst s8  }
0x11: {  	[smem:$0x3FB7] =	sst s9;
	s0 =	simm.s32 @!p0 $0x0  }
0x12: {  	s1 =	sld [smem:$0x3F9D];
	s0 =	simm.s32 @p0 $0x1  }
0x13: {  	[smem:$0x3FB8] =	sst s0;
	s0 =	simm.s32 @!p1 $0x0  }
0x14: {  	s2 =	sld [smem:$0x3F9C];
	s0 =	simm.s32 @p1 $0x1  }
0x15: {  	[smem:$0x3FB9] =	sst s0;
	s0 =	simm.s32 @!p2 $0x0  }
0x16: {  	s3 =	sld [smem:$0x3FDB];
	s0 =	simm.s32 @p2 $0x1  }
0x17: {  	s4 =	simm.s32 $0x1BF5;
	[smem:$0x3FBB] =	sst s0  }
0x18: {  	s0 =	sld [smem:$0x3F9E];
	_ =	swait.ge [sflag:s4], $0x0  }
0x19: {  	s7 =	sld [smem:$0x3F9F]  }
0x1a: {  	s8 =	sadd.s32 $0xFFFFE003, lr  }
0x1b: {  	s9 =	sadd.s32 $0xFFFFFEF7, lr;
	s5 =	simm.s32 $0xFFFFFFFF;
	p2 =	slt.u32 s8, $0xFFFFF086  }
0x1c: {  	p1 =	slt.u32 s9, $0xF7A;
	s5 =	simm.s32 @!p2 $0x0  }
0x1d: {  	s5 =	simm.s32 @p1 $0x1;
	p0 =	seq.s32 s7, s2  }
0x1e: {  	s7 =	smul.u32 @!p0 $0xF7A, s2;
	p2 =	seq.s32 @!p0 s5, $0x0  }
0x1f: {  	s9 =	smul.u32 $0xF7A, s1;
	s8 =	simm.s32 @!p0 $0x1BF5;
	p2 =	por !p2, p0  }
0x20: {  	[sflag:s8] =	ssyncset.s32 @!p0 $0xFFFFF086;
	s6 =	sadd.s32 @!p0 s3, s7;
	s7 =	simm.s32 @!p0 $0x108  }
0x21: {  	s3 =	sadd.s32 s3, s9;
	s6 =	sadd.s32 @!p0 $0x88, s6;
	s7 =	simm.s32 @p2 $0x1082  }
0x22: {  	[simem:s7], [sflag:s8] =	dma.local @!p0 [hbm:s6], $0xF7A  }
0x23: {  	s9 =	sor.u32 $0xD0000000, s2;
	s6 =	simm.s32 $0x108;
	_ =	swait.ge @!p0 [sflag:s8], $0x0  }
0x24: {  	s3 =	sadd.s32 $0x88, s3;
	s6 =	simm.s32 @!p1 $0x1082;
	[sflag:s4] =	ssyncset.s32 $0xFFFFF086  }
0x25: {  	[simem:s6], [sflag:s4] =	dma.local [hbm:s3], $0xF7A  }
0x26: {  	[smem:$0x3F9F] =	sst s1;
	(tag) =	ssettag s2;
	_ =	strace s9  }
0x27: {  	s1 =	sld [smem:$0x3FAF]  }
0x28: {  	s2 =	sld [smem:$0x3FB0]  }
0x29: {  	s4 =	sld [smem:$0x3FB2]  }
0x2a: {  	p0 =	seq.s32 s5, $0x0;
	s5 =	sld [smem:$0x3FB3]  }
0x2b: {  	s6 =	sld [smem:$0x3FB4]  }
0x2c: {  	s7 =	sld [smem:$0x3FB5]  }
0x2d: {  	s3 =	simm.s32 $0x108;
	s8 =	sld [smem:$0x3FB6]  }
0x2e: {  	s3 =	simm.s32 @!p0 $0x1082;
	s9 =	sld [smem:$0x3FB7]  }
0x2f: {  	lr =	sadd.s32 s0, s3;
	s0 =	sld [smem:$0x3FAE]  }
0x30: {  	s3 =	sld [smem:$0x3FB1]  }
0x31: {  	[smem:$0x3FBA] =	sst s10  }
0x32: {  	s10 =	sld [smem:$0x3FB8];
	_ =	sdelay $0x3  }
0x33: {  	p0 =	seq.s32 s10, $0x1;
	s10 =	sld [smem:$0x3FBA];
	_ =	sdelay $0x3  }
0x34: {  	[smem:$0x3FBA] =	sst s10  }
0x35: {  	s10 =	sld [smem:$0x3FB9];
	_ =	sdelay $0x3  }
0x36: {  	p1 =	seq.s32 s10, $0x1;
	s10 =	sld [smem:$0x3FBA];
	_ =	sdelay $0x3  }
0x37: {  	[smem:$0x3FBA] =	sst s10  }
0x38: {  	s10 =	sld [smem:$0x3FBB]  }
0x39: {  	_ = 	snop;
	(pc) =	sbr.ind lr, $3  }
0x3a: {  	_ = 	snop  }
0x3b: {  	_ = 	snop  }
0x3c: {  	p2 =	seq.s32 s10, $0x1;
	s10 =	sld [smem:$0x3FBA]  }
0x3d: {  	_ =	shalt  }
0x3e: {  	_ =	shalt  }
0x3f: {  	_ =	shalt  }
0x40: {  	_ =	shalt  }
0x41: {  	_ =	shalt  }
0x42: {  	_ =	shalt  }
0x43: {  	_ =	shalt  }
0x44: {  	_ =	shalt  }
0x45: {  	_ =	shalt  }
0x46: {  	_ =	shalt  }
0x47: {  	_ =	shalt  }
0x48: {  	_ =	shalt  }
0x49: {  	_ =	shalt  }
0x4a: {  	_ =	shalt  }
0x4b: {  	_ =	shalt  }
0x4c: {  	_ =	shalt  }
0x4d: {  	_ =	shalt  }
0x4e: {  	_ =	shalt  }
0x4f: {  	_ =	shalt  }
0x50: {  	_ =	shalt  }
0x51: {  	_ =	shalt  }
0x52: {  	_ =	shalt  }
0x53: {  	_ =	shalt  }
0x54: {  	_ =	shalt  }
0x55: {  	_ =	shalt  }
0x56: {  	_ =	shalt  }
0x57: {  	_ =	shalt  }
0x58: {  	_ =	shalt  }
0x59: {  	_ =	shalt  }
0x5a: {  	_ =	shalt  }
0x5b: {  	_ =	shalt  }
0x5c: {  	_ =	shalt  }
0x5d: {  	_ =	shalt  }
0x5e: {  	_ =	shalt  }
0x5f: {  	_ =	shalt  }
0x60: {  	_ =	shalt  }
0x61: {  	_ =	shalt  }
0x62: {  	_ =	shalt  }
0x63: {  	_ =	shalt  }
0x64: {  	_ =	shalt  }
0x65: {  	_ =	shalt  }
0x66: {  	_ =	shalt  }
0x67: {  	_ =	shalt  }
0x68: {  	_ =	shalt  }
0x69: {  	_ =	shalt  }
0x6a: {  	_ =	shalt  }
0x6b: {  	_ =	shalt  }
0x6c: {  	_ =	shalt  }
0x6d: {  	_ =	shalt  }
0x6e: {  	_ =	shalt  }
0x6f: {  	_ =	shalt  }
0x70: {  	_ =	shalt  }
0x71: {  	_ =	shalt  }
0x72: {  	_ =	shalt  }
0x73: {  	_ =	shalt  }
0x74: {  	_ =	shalt  }
0x75: {  	_ =	shalt  }
0x76: {  	_ =	shalt  }
0x77: {  	_ =	shalt  }
0x78: {  	_ =	shalt  }
0x79: {  	_ =	shalt  }
0x7a: {  	_ =	shalt  }
0x7b: {  	_ =	shalt  }
0x7c: {  	_ =	shalt  }
0x7d: {  	_ =	shalt  }
0x7e: {  	_ =	shalt  }
0x7f: {  	_ =	shalt  }
0x80: {  	_ =	shalt  }
0x81: {  	_ =	shalt  }
0x82: {  	_ =	shalt  }
0x83: {  	_ =	shalt  }
0x84: {  	_ =	shalt  }
0x85: {  	_ =	shalt  }
0x86: {  	_ =	shalt  }
0x87: {  	_ =	shalt  }
.Lfunc_end0:
.L_simem_size_0:
called_computation_lowered:
.L_overlay_start_0:
0x88: {  	s2 =	sld [smem:$0x3FD9]  }
0x89: {  	s3 =	sld [smem:$0x3FFE];
	_ =	sdelay $0x1  }
0x8a: {  	s1 =	srdreg.scid  }
0x8b: {  	s0 =	sand.u32 $0x1, s1  }
0x8c: {  	s17 =	sshll.u32 s0, $0xA;
	s2 =	sadd.s32 s3, s2  }
0x8d: {  	s2 =	sadd.s32 s2, s17  }
0x8e: {  	[smem:$0x3FC6] =	sst s2  }
0x8f: {  	_ = 	snop  }
0x90: {  	s2 =	sld [smem:$0x3FD0];
	(tm) =	ssettm $0x1  }
0x91: {  	s18 =	sld [smem:$0x3FFB];
	_ =	sdelay $0x3  }
0x92: {  	_ =	strace s18  }
0x93: {  	s3 =	sld [smem:$0x3FFC];
	_ =	sdelay $0x3  }
0x94: {  	_ =	strace s3  }
0x95: {  	s3 =	sld [smem:$0x3FFD];
	_ =	sdelay $0x3  }
0x96: {  	_ =	strace s3  }
0x97: {  	_ =	strace $0x8FFFFFFF  }
0x98: {  	s19 =	sld [smem:$0x3FDB];
	_ =	sdelay $0x1  }
0x99: {  	s4 =	simm.s32 $_scs_section_size  }
0x9a: {  	s5 =	simm.s32 $_size__tile_overlayer_lowered;
	s6 =	simm.s32 $_tile_overlayer_lowered  }
0x9b: {  	s22 =	simm.s32 $0x1BFF;
	s21 =	sshll.u32 s6, $0x1;
	s3 =	sadd.s32 s4, s19  }
0x9c: {  	s7 =	simm.s32 $0x0;
	s20 =	sshll.u32 s5, $0x1;
	s5 =	sadd.s32 s21, s3  }
0x9d: {  	[timem:s7], [sflag:s22] =	dma.local [hbm:s5], s20  }
0x9e: {  	_ =	swait.ge [sflag:s22], s20  }
0x9f: {  	s4 =	ssub.s32 $0x0, s20;
	[sflag:s22] =	ssyncset.done $0x0  }
0xa0: {  	[sflag:s22] =	ssyncadd.s32 s4;
	_ =	sdelay $0x1  }
0xa1: {  	s23 =	simm.s32 $0x1B8B  }
0xa2: {  	_ =	swait.ge [sflag:s23], $0x1  }
0xa3: {  	[sflag:s23] =	ssyncset.done $0x0  }
0xa4: {  	s25 =	simm.s32 $0x1B8E;
	s24 =	sld [smem:$0x3FFE];
	[sflag:s23] =	ssyncadd.s32 $0xFFFFFFFF  }
0xa5: {  	s26 =	simm.s32 $execute0_lowered;
	[smem:$0x3FD2] =	sst s25  }
0xa6: {  	s5 =	sshll.u32 s26, $0x1;
	_ =	strace $0x80000046;
	[dreg:$0x1] =	wrdreg $0xFFFFFFFF  }
0xa7: {  	s28 =	simm.s32 $_size_execute0_lowered;
	s3 =	sadd.s32 s3, s5;
	[dreg:$0x0] =	wrdreg $0x0  }
0xa8: {  	s5 =	sshll.u32 s28, $0x1;
	[dreg:$0x2] =	wrdreg s3  }
0xa9: {  	[dreg:$0x3] =	wrdreg s5  }
0xaa: {  	[dreg:$0x4] =	wrdreg $0xC0  }
0xab: {  	_ =	task [dreg:s7], $0x5FFFF  }
0xac: {  	[dreg:$0x1] =	wrdreg $0xFFFFFFFF  }
0xad: {  	[dreg:$0x0] =	wrdreg $0x60  }
0xae: {  	[dreg:$0x2] =	wrdreg s24  }
0xaf: {  	[dreg:$0x3] =	wrdreg s2  }
0xb0: {  	[dreg:$0x4] =	wrdreg $0x9  }
0xb1: {  	_ =	task.clear_ibuf [dreg:s7], $0x5FFFF;
	_ =	strace $0x90000046  }
0xb2: {  	s29 =	simm.s32 $0x9;
	_ =	strace $0x80000048  }
0xb3: {  	_ =	swait.ge [sflag:s29], $0x1  }
0xb4: {  	[sflag:s29] =	ssyncadd.s32 $0xFFFFFFFF  }
0xb5: {  	_ =	strace $0x90000048  }
0xb6: {  	_ =	sfence  }
0xb7: {  	s30 =	sld [smem:$0x0];
	_ =	sdelay $0x2  }
0xb8: {  	s31 =	sshll.u32 s1, $0xD;
	s1 =	sshrl.u32 s1, $0x2  }
0xb9: {  	s3 =	sand.u32 $0x4000, s31;
	s1 =	sadd.s32 s1, s30  }
0xba: {  	s0 =	sor.u32 s3, s0;
	s1 =	sshll.u32 s1, $0x11  }
0xbb: {  	s0 =	sor.u32 s1, s0  }
0xbc: {  	s0 =	sadd.s32 $0x8F2B, s0  }
0xbd: {  	[sflag:s0] =	ssyncadd.remote.s32 $0x1  }
0xbe: {  	_ =	sfence.sel $0xFFFF  }
0xbf: {  	[dreg:$0x0] =	wrdreg $0xFFFFFFFF;
	(pc) =	sbr.abs _section_cstart, $3  }
0xc0: {  	[dreg:$0x1] =	wrdreg $0xFFFFFFFF  }
0xc1: {  	_ =	task.clear_ibuf [dreg:s7], $0x2FFFF;
	_ =	strace $0x9FFFFFFF  }
0xc2: {  	(tm) =	ssettm $0x7FFFFFFF  }
0xc3: {  	_ =	shalt  }
tec
execute0_lowered:
.L_overlay_start_1:
0x0: {  	(tag) =	ssettag $0x1  }
0x1: {  	s3 =	rddreg [dreg:$0x0];
	s0 =	stileid.u32  }
0x2: {  	s1 =	srdreg.scid;
	s10 =	rddreg [dreg:$0x1];
	s6 =	simm.s32 $0x1  }
0x3: {  	s7 =	simm.s32 $0x1000;
	s14 =	simm.s32 $0x2000;
	s15 =	simm.s32 $0x0  }
0x4: {  	s4 =	sand.u32 $0x1, s1;
	s2 =	sshll.u32 s0, $0x1;
	s1 =	rddreg [dreg:$0x2]  }
0x5: {  	s5 =	smul.u32 $0x30D40, s0;
	s28 =	sadd.s32 $0xC00, s3;
	s31 =	sshll.u32 s0, $0x9  }
0x6: {  	s13 =	sshll.u32 s0, $0x4;
	s11 =	sor.u32 s4, s2;
	s2 =	simm.s32 $0x0  }
0x7: {  	p1 =	seq.s32 s4, $0x1;
	s4 =	ssub.s32 $0x2, s4;
	p0 =	seq.s32 s11, $0x0  }
0x8: {  	[smem:$0x7FF] =	sst s2;
	s8 =	sadd.s32 s5, s3;
	s29 =	sshrl.u32 s4, $0x1  }
0x9: {  	s9 =	sshll.u32 s11, $0x3;
	s3 =	simm.s32 $0x1;
	p0 =	por !p0, !p1  }
0xa: {  	s5 =	sadd.s32 s28, s31;
	s11 =	sshll.u32 s11, $0xC;
	p0 =	por !p0, !p0  }
0xb: {  	_ =	strace $0x80000047;
	s12 =	ssub.s32 s4, s29;
	s6 =	simm.s32 @!p0 $0x0  }
0xc: {  	s8 =	sadd.s32 $0x30EC00, s8;
	s9 =	ssub.s32 s9, s13;
	s6 =	ssub.s32 s0, s6  }
0xd: {  	s10 =	sadd.s32 s10, s11;
	s13 =	simm.s32 $0x80;
	s30 =	sshll.u32 s6, $0x9  }
0xe: {  	s11 =	smax.u32 s12, $0x1;
	s6 =	simm.s32 $0x1000;
	s4 =	sand.u32 $0x1FFFFE00, s30  }
0xf: {  	s12 =	simm.s32 $0x2;
	s6 =	simm.s32 @!p0 $0x0;
	s4 =	sadd.s32 s28, s4  }
.LBB2_1:
0x10: {  	[tilespmem:s2], [sflag:$0x2] =	stream.linear.gather [hbm4b:s4+s2], $0x1000, $0x38;
	[tilespmem:$0xA000] =	vst v63  }
0x11: {  	_ =	swait.ge [sflag:s12], $0x1000  }
0x12: {  	s16 =	sadd.s32 $0x0, s9;
	[sflag:s12] =	ssyncset.done $0x0  }
0x13: {  	s16 =	smul.u32 $0x186A0, s16;
	[sflag:s12] =	ssyncadd.s32 $0xFFFFF000  }
0x14: {  	[tilespmem:s7], [sflag:$0x2] =	stream.linear.gather [hbm4b:s5+s2], $0x1000, $0x38;
	[tilespmem:$0xA000] =	vst v63  }
0x15: {  	_ =	swait.ge [sflag:s12], $0x1000  }
0x16: {  	s17 =	sadd.s32 $0x0, s6;
	s16 =	sshrl.u32 s16, $0x3;
	[sflag:s12] =	ssyncset.done $0x0  }
0x17: {  	s18 =	smov.u32 s6;
	s16 =	sadd.s32 s16, s8;
	[sflag:s12] =	ssyncadd.s32 $0xFFFFF000  }
0x18: {  	[tilespmem:s14], [sflag:$0x1] =	stream.indirect.gather [hbm4b:s16+s13], $0x1, s17, s13, $0xb8;
	[tilespmem:$0xA000] =	vst v63  }
0x19: {  	s19 =	simm.s32 $0x2000;
	s16 =	simm.s32 $0x1;
	s17 =	simm.s32 $0x0  }
.LBB2_2:
0x1a: {  	s20 =	sshrl.u32 s16, $0x5;
	p0 =	slt.u32 s17, $0x30  }
0x1b: {  	s18 =	sadd.s32 $0x80, s18;
	s17 =	smov.u32 s16;
	s19 =	sadd.s32 $0x80, s19  }
0x1c: {  	s21 =	sshll.u32 s20, $0xE;
	s20 =	sadd.s32 s20, s9;
	s22 =	simm.s32 @!p0 $0x1  }
0x1d: {  	s21 =	ssub.s32 $0x0, s21;
	s20 =	smul.u32 $0x186A0, s20;
	_ =	swait.ge @!p0 [sflag:s22], $0x80  }
0x1e: {  	s16 =	sadd.s32 $0x1, s16;
	s21 =	sshra.s32 s21, $0x2;
	[sflag:s22] =	ssyncset.done @!p0 $0x0  }
0x1f: {  	[sflag:s22] =	ssyncadd.s32 @!p0 $0xFFFFFF80;
	p0 =	sne.s32 s16, $0x100  }
.Ltmp0:
0x20: {  	_ = 	snop;
	(pc) =	sbr.rel @p0 .LBB2_2-.Ltmp0, $4  }
0x21: {  	_ = 	snop  }
0x22: {  	s20 =	sshrl.u32 s20, $0x3  }
0x23: {  	s21 =	sadd.s32 s21, s18;
	s20 =	sadd.s32 s20, s8  }
0x24: {  	[tilespmem:s19], [sflag:$0x1] =	stream.indirect.gather [hbm4b:s20+s13], $0x1, s21, s13, $0xb8;
	[tilespmem:$0xA000] =	vst v63  }
0x25: {  	p0 =	slt.u32 s17, $0x30  }
0x26: {  	s16 =	simm.s32 @!p0 $0x1  }
0x27: {  	_ =	swait.ge @!p0 [sflag:s16], $0x80  }
0x28: {  	[sflag:s16] =	ssyncset.done @!p0 $0x0  }
0x29: {  	[sflag:s16] =	ssyncadd.s32 @!p0 $0xFFFFFF80  }
0x2a: {  	_ =	swait.ge [sflag:s3], $0x80  }
0x2b: {  	s16 =	simm.s32 $0x2F;
	[sflag:s3] =	ssyncset.done $0x0  }
.LBB2_4:
0x2c: {  	p0 =	sne.s32 s16, $0x1;
	s16 =	sadd.s32 $0xFFFFFFFF, s16;
	[sflag:s3] =	ssyncadd.s32 $0xFFFFFF80  }
.Ltmp1:
0x2d: {  	(pc) =	sbr.rel @p0 .LBB2_4-.Ltmp1, $3  }
0x2e: {  	_ =	sdelay $0x1  }
0x2f: {  	_ =	swait.ge [sflag:s3], $0x80  }
0x30: {  	[sflag:s3] =	ssyncset.done $0x0  }
0x31: {  	s15 =	sadd.s32 $0x1, s15  }
0x32: {  	p0 =	sne.s32 s15, s11  }
.Ltmp2:
0x33: {  	[sflag:s3] =	ssyncadd.s32 $0xFFFFFF80;
	(pc) =	sbr.rel @p0 .LBB2_1-.Ltmp2, $4  }
0x34: {  	[hbm4b:s10+s2] =	stream.linear.scatter [tilespmem:s14], [sflag:$0x2], $0x8000, $0x38;
	[tilespmem:$0xA000] =	vst v63  }
0x35: {  	_ =	swait.ge [sflag:s12], $0x8000  }
0x36: {  	[sflag:s12] =	ssyncset.done $0x0  }
0x37: {  	[sflag:s12] =	ssyncadd.s32 $0xFFFF8000  }
0x38: {  	_ =	sfence.sel $0x180000  }
0x39: {  	[bflag:$0x0] =	sbarrier.arrive $0xFFFF  }
0x3a: {  	p0 =	sne.s32 s0, $0x0;
	_ =	strace $0x90000047  }
0x3b: {  	s0 =	sadd.s32 @!p0 $0x100000, s1;
	[bflag:$0x2] =	sbarrier.arrive $0xFFFF  }
0x3c: {  	[sflag:s0] =	ssyncadd.tile.s32 @!p0 $0x1;
	_ =	shalt  }
.Lfunc_end2:
_tile_overlayer_lowered:
.L_overlay_start_2:
0x3d: {  	(tag) =	ssettag $0x2  }
0x3e: {  	s0 =	rddreg [dreg:$0x0];
	s2 =	stileid.u32  }
0x3f: {  	s1 =	rddreg [dreg:$0x1];
	p0 =	sne.s32 s2, $0x0  }
0x40: {  	s3 =	rddreg [dreg:$0x2];
	[bflag:$0x3] =	sbarrier.arrive $0xFFFF;
	s2 =	simm.s32 @!p0 $0x1C02  }
0x41: {  	[timem:s3], [sflag:s2] =	dma.local @!p0 [hbm:s0], s1  }
0x42: {  	s0 =	simm.s32 @!p0 $0x2  }
0x43: {  	_ =	swait.ge @!p0 [sflag:s0], s1  }
0x44: {  	s1 =	ssub.s32 @!p0 $0x0, s1;
	[sflag:s0] =	ssyncset.done @!p0 $0x0  }
0x45: {  	[sflag:s0] =	ssyncadd.s32 @!p0 s1  }
0x46: {  	[bflag:$0x3] =	sbarrier.arrive $0xFFFF  }
0x47: {  	_ =	shalt  }

// kernel: _impl.7.cloned.1.call-start
scs
__scs_entry_jumppad:
0x0: {  	(pc) =	sbr.rel $0x88, $3  }
0x1: {  	(tag) =	ssettag $0x0;
	lr =	simm.s32 $0x1  }
0x2: {  	[smem:$0x3F9F] =	sst lr;
	_ =	strace $0xD0000000  }
0x3: {  	_ = 	snop  }
0x4: {  	_ = 	snop  }
0x5: {  	_ = 	snop  }
0x6: {  	_ = 	snop  }
0x7: {  	_ = 	snop  }
__scs_overlays_trampoline_lowered:
0x8: {  	[smem:$0x3FAE] =	sst s0  }
0x9: {  	[smem:$0x3FAF] =	sst s1  }
0xa: {  	[smem:$0x3FB0] =	sst s2  }
0xb: {  	[smem:$0x3FB1] =	sst s3  }
0xc: {  	[smem:$0x3FB2] =	sst s4  }
0xd: {  	[smem:$0x3FB3] =	sst s5  }
0xe: {  	[smem:$0x3FB4] =	sst s6  }
0xf: {  	[smem:$0x3FB5] =	sst s7  }
0x10: {  	[smem:$0x3FB6] =	sst s8  }
0x11: {  	[smem:$0x3FB7] =	sst s9;
	s0 =	simm.s32 @!p0 $0x0  }
0x12: {  	s1 =	sld [smem:$0x3F9D];
	s0 =	simm.s32 @p0 $0x1  }
0x13: {  	[smem:$0x3FB8] =	sst s0;
	s0 =	simm.s32 @!p1 $0x0  }
0x14: {  	s2 =	sld [smem:$0x3F9C];
	s0 =	simm.s32 @p1 $0x1  }
0x15: {  	[smem:$0x3FB9] =	sst s0;
	s0 =	simm.s32 @!p2 $0x0  }
0x16: {  	s3 =	sld [smem:$0x3FDB];
	s0 =	simm.s32 @p2 $0x1  }
0x17: {  	s4 =	simm.s32 $0x1BF5;
	[smem:$0x3FBB] =	sst s0  }
0x18: {  	s0 =	sld [smem:$0x3F9E];
	_ =	swait.ge [sflag:s4], $0x0  }
0x19: {  	s7 =	sld [smem:$0x3F9F]  }
0x1a: {  	s8 =	sadd.s32 $0xFFFFE003, lr  }
0x1b: {  	s9 =	sadd.s32 $0xFFFFFEF7, lr;
	s5 =	simm.s32 $0xFFFFFFFF;
	p2 =	slt.u32 s8, $0xFFFFF086  }
0x1c: {  	p1 =	slt.u32 s9, $0xF7A;
	s5 =	simm.s32 @!p2 $0x0  }
0x1d: {  	s5 =	simm.s32 @p1 $0x1;
	p0 =	seq.s32 s7, s2  }
0x1e: {  	s7 =	smul.u32 @!p0 $0xF7A, s2;
	p2 =	seq.s32 @!p0 s5, $0x0  }
0x1f: {  	s9 =	smul.u32 $0xF7A, s1;
	s8 =	simm.s32 @!p0 $0x1BF5;
	p2 =	por !p2, p0  }
0x20: {  	[sflag:s8] =	ssyncset.s32 @!p0 $0xFFFFF086;
	s6 =	sadd.s32 @!p0 s3, s7;
	s7 =	simm.s32 @!p0 $0x108  }
0x21: {  	s3 =	sadd.s32 s3, s9;
	s6 =	sadd.s32 @!p0 $0x88, s6;
	s7 =	simm.s32 @p2 $0x1082  }
0x22: {  	[simem:s7], [sflag:s8] =	dma.local @!p0 [hbm:s6], $0xF7A  }
0x23: {  	s9 =	sor.u32 $0xD0000000, s2;
	s6 =	simm.s32 $0x108;
	_ =	swait.ge @!p0 [sflag:s8], $0x0  }
0x24: {  	s3 =	sadd.s32 $0x88, s3;
	s6 =	simm.s32 @!p1 $0x1082;
	[sflag:s4] =	ssyncset.s32 $0xFFFFF086  }
0x25: {  	[simem:s6], [sflag:s4] =	dma.local [hbm:s3], $0xF7A  }
0x26: {  	[smem:$0x3F9F] =	sst s1;
	(tag) =	ssettag s2;
	_ =	strace s9  }
0x27: {  	s1 =	sld [smem:$0x3FAF]  }
0x28: {  	s2 =	sld [smem:$0x3FB0]  }
0x29: {  	s4 =	sld [smem:$0x3FB2]  }
0x2a: {  	p0 =	seq.s32 s5, $0x0;
	s5 =	sld [smem:$0x3FB3]  }
0x2b: {  	s6 =	sld [smem:$0x3FB4]  }
0x2c: {  	s7 =	sld [smem:$0x3FB5]  }
0x2d: {  	s3 =	simm.s32 $0x108;
	s8 =	sld [smem:$0x3FB6]  }
0x2e: {  	s3 =	simm.s32 @!p0 $0x1082;
	s9 =	sld [smem:$0x3FB7]  }
0x2f: {  	lr =	sadd.s32 s0, s3;
	s0 =	sld [smem:$0x3FAE]  }
0x30: {  	s3 =	sld [smem:$0x3FB1]  }
0x31: {  	[smem:$0x3FBA] =	sst s10  }
0x32: {  	s10 =	sld [smem:$0x3FB8];
	_ =	sdelay $0x3  }
0x33: {  	p0 =	seq.s32 s10, $0x1;
	s10 =	sld [smem:$0x3FBA];
	_ =	sdelay $0x3  }
0x34: {  	[smem:$0x3FBA] =	sst s10  }
0x35: {  	s10 =	sld [smem:$0x3FB9];
	_ =	sdelay $0x3  }
0x36: {  	p1 =	seq.s32 s10, $0x1;
	s10 =	sld [smem:$0x3FBA];
	_ =	sdelay $0x3  }
0x37: {  	[smem:$0x3FBA] =	sst s10  }
0x38: {  	s10 =	sld [smem:$0x3FBB]  }
0x39: {  	_ = 	snop;
	(pc) =	sbr.ind lr, $3  }
0x3a: {  	_ = 	snop  }
0x3b: {  	_ = 	snop  }
0x3c: {  	p2 =	seq.s32 s10, $0x1;
	s10 =	sld [smem:$0x3FBA]  }
0x3d: {  	_ =	shalt  }
0x3e: {  	_ =	shalt  }
0x3f: {  	_ =	shalt  }
0x40: {  	_ =	shalt  }
0x41: {  	_ =	shalt  }
0x42: {  	_ =	shalt  }
0x43: {  	_ =	shalt  }
0x44: {  	_ =	shalt  }
0x45: {  	_ =	shalt  }
0x46: {  	_ =	shalt  }
0x47: {  	_ =	shalt  }
0x48: {  	_ =	shalt  }
0x49: {  	_ =	shalt  }
0x4a: {  	_ =	shalt  }
0x4b: {  	_ =	shalt  }
0x4c: {  	_ =	shalt  }
0x4d: {  	_ =	shalt  }
0x4e: {  	_ =	shalt  }
0x4f: {  	_ =	shalt  }
0x50: {  	_ =	shalt  }
0x51: {  	_ =	shalt  }
0x52: {  	_ =	shalt  }
0x53: {  	_ =	shalt  }
0x54: {  	_ =	shalt  }
0x55: {  	_ =	shalt  }
0x56: {  	_ =	shalt  }
0x57: {  	_ =	shalt  }
0x58: {  	_ =	shalt  }
0x59: {  	_ =	shalt  }
0x5a: {  	_ =	shalt  }
0x5b: {  	_ =	shalt  }
0x5c: {  	_ =	shalt  }
0x5d: {  	_ =	shalt  }
0x5e: {  	_ =	shalt  }
0x5f: {  	_ =	shalt  }
0x60: {  	_ =	shalt  }
0x61: {  	_ =	shalt  }
0x62: {  	_ =	shalt  }
0x63: {  	_ =	shalt  }
0x64: {  	_ =	shalt  }
0x65: {  	_ =	shalt  }
0x66: {  	_ =	shalt  }
0x67: {  	_ =	shalt  }
0x68: {  	_ =	shalt  }
0x69: {  	_ =	shalt  }
0x6a: {  	_ =	shalt  }
0x6b: {  	_ =	shalt  }
0x6c: {  	_ =	shalt  }
0x6d: {  	_ =	shalt  }
0x6e: {  	_ =	shalt  }
0x6f: {  	_ =	shalt  }
0x70: {  	_ =	shalt  }
0x71: {  	_ =	shalt  }
0x72: {  	_ =	shalt  }
0x73: {  	_ =	shalt  }
0x74: {  	_ =	shalt  }
0x75: {  	_ =	shalt  }
0x76: {  	_ =	shalt  }
0x77: {  	_ =	shalt  }
0x78: {  	_ =	shalt  }
0x79: {  	_ =	shalt  }
0x7a: {  	_ =	shalt  }
0x7b: {  	_ =	shalt  }
0x7c: {  	_ =	shalt  }
0x7d: {  	_ =	shalt  }
0x7e: {  	_ =	shalt  }
0x7f: {  	_ =	shalt  }
0x80: {  	_ =	shalt  }
0x81: {  	_ =	shalt  }
0x82: {  	_ =	shalt  }
0x83: {  	_ =	shalt  }
0x84: {  	_ =	shalt  }
0x85: {  	_ =	shalt  }
0x86: {  	_ =	shalt  }
0x87: {  	_ =	shalt  }
.Lfunc_end0:
.L_simem_size_0:
called_computation.1_lowered:
.L_overlay_start_0:
0x88: {  	s2 =	sld [smem:$0x3FD9]  }
0x89: {  	s3 =	sld [smem:$0x3FFE];
	_ =	sdelay $0x1  }
0x8a: {  	s1 =	srdreg.scid  }
0x8b: {  	s0 =	sand.u32 $0x1, s1  }
0x8c: {  	s17 =	sshll.u32 s0, $0xA;
	s2 =	sadd.s32 s3, s2  }
0x8d: {  	s2 =	sadd.s32 s2, s17  }
0x8e: {  	[smem:$0x3FC6] =	sst s2  }
0x8f: {  	_ = 	snop  }
0x90: {  	(tm) =	ssettm $0x1  }
0x91: {  	s18 =	sld [smem:$0x3FFB];
	_ =	sdelay $0x3  }
0x92: {  	_ =	strace s18  }
0x93: {  	s2 =	sld [smem:$0x3FFC];
	_ =	sdelay $0x3  }
0x94: {  	_ =	strace s2  }
0x95: {  	s2 =	sld [smem:$0x3FFD];
	_ =	sdelay $0x3  }
0x96: {  	_ =	strace s2  }
0x97: {  	_ =	strace $0x8FFFFFFF  }
0x98: {  	s19 =	sld [smem:$0x3FDB];
	_ =	sdelay $0x1  }
0x99: {  	s20 =	simm.s32 $_scs_section_size  }
0x9a: {  	s4 =	simm.s32 $_size__tile_overlayer_lowered;
	s5 =	simm.s32 $_tile_overlayer_lowered  }
0x9b: {  	s6 =	simm.s32 $0x1BFF;
	s21 =	sshll.u32 s5, $0x1;
	s3 =	sadd.s32 s20, s19  }
0x9c: {  	s22 =	simm.s32 $0x0;
	s4 =	sshll.u32 s4, $0x1;
	s5 =	sadd.s32 s21, s3  }
0x9d: {  	[timem:s22], [sflag:s6] =	dma.local [hbm:s5], s4  }
0x9e: {  	_ =	swait.ge [sflag:s6], s4  }
0x9f: {  	s4 =	ssub.s32 $0x0, s4;
	[sflag:s6] =	ssyncset.done $0x0  }
0xa0: {  	[sflag:s6] =	ssyncadd.s32 s4;
	_ =	sdelay $0x1  }
0xa1: {  	s23 =	simm.s32 $0x1B8B  }
0xa2: {  	_ =	swait.ge [sflag:s23], $0x1  }
0xa3: {  	[sflag:s23] =	ssyncset.done $0x0  }
0xa4: {  	[sflag:s23] =	ssyncadd.s32 $0xFFFFFFFF  }
0xa5: {  	s4 =	sld [smem:$0x0]  }
0xa6: {  	s5 =	sand.u32 $0xFFFFFFFE, s1  }
0xa7: {  	p0 =	sne.s32 s1, s5  }
0xa8: {  	s5 =	sshll.u32 @p0 s5, $0xE  }
0xa9: {  	s5 =	sadd.s32 @p0 $0x11B8D, s5;
	s6 =	sshll.u32 @p0 s4, $0x11  }
0xaa: {  	s5 =	sor.u32 @p0 s6, s5  }
0xab: {  	[sflag:s5] =	ssyncadd.remote.s32 @p0 $0x1;
	_ =	sdelay $0x1  }
0xac: {  	s5 =	simm.s32 @p0 $0x1B8D  }
0xad: {  	_ =	swait.eq @p0 [sflag:s5], $0x1  }
0xae: {  	[sflag:s5] =	ssyncadd.s32 @p0 $0xFFFFFFFF  }
0xaf: {  	s6 =	sshll.u32 @!p0 s1, $0xE  }
0xb0: {  	s6 =	sor.u32 @!p0 $0x4000, s6;
	s5 =	simm.s32 @!p0 $0x1B8D  }
0xb1: {  	s4 =	sshll.u32 @!p0 s4, $0x11;
	s6 =	sadd.s32 @!p0 $0x11B8D, s6;
	_ =	swait.eq @!p0 [sflag:s5], $0x1  }
0xb2: {  	s4 =	sor.u32 @!p0 s4, s6;
	[sflag:s5] =	ssyncadd.s32 @!p0 $0xFFFFFFFF  }
0xb3: {  	s25 =	simm.s32 $0x1B8E;
	s24 =	sld [smem:$0x3FFE];
	[sflag:s4] =	ssyncadd.remote.s32 @!p0 $0x1  }
0xb4: {  	s26 =	simm.s32 $execute0_lowered;
	[smem:$0x3FD2] =	sst s25  }
0xb5: {  	s5 =	sshll.u32 s26, $0x1;
	_ =	strace $0x80000049;
	[dreg:$0x1] =	wrdreg $0xFFFFFFFF  }
0xb6: {  	s28 =	simm.s32 $_size_execute0_lowered;
	s3 =	sadd.s32 s3, s5;
	[dreg:$0x0] =	wrdreg $0x0  }
0xb7: {  	s5 =	sshll.u32 s28, $0x1;
	[dreg:$0x2] =	wrdreg s3  }
0xb8: {  	[dreg:$0x3] =	wrdreg s5  }
0xb9: {  	[dreg:$0x4] =	wrdreg $0xC0  }
0xba: {  	_ =	task [dreg:s22], $0x5FFFF  }
0xbb: {  	[dreg:$0x1] =	wrdreg $0xFFFFFFFF  }
0xbc: {  	[dreg:$0x0] =	wrdreg $0x60  }
0xbd: {  	[dreg:$0x2] =	wrdreg s24  }
0xbe: {  	[dreg:$0x3] =	wrdreg $0xA  }
0xbf: {  	_ =	task.clear_ibuf [dreg:s22], $0x4FFFF;
	_ =	strace $0x90000049  }
0xc0: {  	s29 =	simm.s32 $0xA;
	_ =	strace $0x8000004B  }
0xc1: {  	_ =	swait.ge [sflag:s29], $0x1  }
0xc2: {  	[sflag:s29] =	ssyncadd.s32 $0xFFFFFFFF  }
0xc3: {  	_ =	strace $0x9000004B  }
0xc4: {  	_ =	sfence  }
0xc5: {  	s30 =	sld [smem:$0x0];
	_ =	sdelay $0x2  }
0xc6: {  	s31 =	sshll.u32 s1, $0xD;
	s1 =	sshrl.u32 s1, $0x2  }
0xc7: {  	s4 =	sand.u32 $0x4000, s31;
	s1 =	sadd.s32 s1, s30  }
0xc8: {  	s0 =	sor.u32 s4, s0;
	s1 =	sshll.u32 s1, $0x11  }
0xc9: {  	s0 =	sor.u32 s1, s0  }
0xca: {  	s0 =	sadd.s32 $0x8F2B, s0  }
0xcb: {  	[sflag:s0] =	ssyncadd.remote.s32 $0x1  }
0xcc: {  	_ =	sfence.sel $0xFFFF  }
0xcd: {  	[dreg:$0x0] =	wrdreg $0xFFFFFFFF;
	(pc) =	sbr.abs _section_cstart, $3  }
0xce: {  	[dreg:$0x1] =	wrdreg $0xFFFFFFFF  }
0xcf: {  	_ =	task.clear_ibuf [dreg:s22], $0x2FFFF;
	_ =	strace $0x9FFFFFFF  }
0xd0: {  	(tm) =	ssettm $0x7FFFFFFF  }
0xd1: {  	_ =	shalt  }
tec
execute0_lowered:
.L_overlay_start_1:
0x0: {  	(tag) =	ssettag $0x1  }
0x1: {  	s1 =	srdreg.scid  }
0x2: {  	s0 =	stileid.u32;
	s6 =	rddreg [dreg:$0x0];
	s2 =	simm.s32 $0x0  }
0x3: {  	s13 =	simm.s32 $0x80;
	s14 =	simm.s32 $0x1;
	s15 =	simm.s32 $0x2000  }
0x4: {  	s16 =	simm.s32 $0x0;
	s5 =	sand.u32 $0x1, s1;
	s1 =	rddreg [dreg:$0x1]  }
0x5: {  	s29 =	sshll.u32 s0, $0x1;
	[smem:$0x7FF] =	sst s2;
	s9 =	smul.u32 $0xA, s0  }
0x6: {  	s7 =	sor.u32 s5, s29;
	s10 =	ssub.s32 $0x2, s5;
	s5 =	smul.u32 $0x5, s5  }
0x7: {  	s4 =	sadd.s32 $0x61C000, s6;
	s11 =	sadd.s32 $0x2C00, s6;
	s8 =	smul.u32 $0xA00, s7  }
0x8: {  	_ =	strace $0x8000004A;
	s3 =	smul.u32 $0x5, s7;
	s12 =	sshrl.u32 s10, $0x1  }
0x9: {  	s7 =	smul.u32 $0xA0, s7;
	s10 =	ssub.s32 s10, s12;
	s5 =	sadd.s32 s5, s9  }
0xa: {  	s12 =	simm.s32 $0x1000;
	s8 =	sadd.s32 s8, s6;
	s30 =	sshll.u32 s3, $0x5  }
0xb: {  	s7 =	sadd.s32 $0x80, s7;
	s9 =	sshll.u32 s5, $0xA;
	s6 =	sand.u32 $0x1E00, s30  }
0xc: {  	s7 =	sand.u32 $0x3E00, s7;
	s9 =	sand.u32 $0x7C000, s9;
	s8 =	sadd.s32 $0x4000, s8  }
0xd: {  	s6 =	sadd.s32 s11, s6;
	s7 =	sadd.s32 s11, s7;
	s31 =	ssub.s32 $0x0, s9  }
0xe: {  	s9 =	smax.u32 s10, $0x1;
	s11 =	simm.s32 $0x2;
	s10 =	sshra.s32 s31, $0x2  }
.LBB2_1:
0xf: {  	[tilespmem:s2], [sflag:$0x2] =	stream.linear.gather [hbm4b:s6+s2], $0x1000, $0x38;
	[tilespmem:$0x7000] =	vst v63  }
0x10: {  	s17 =	sadd.s32 $0x0, s3;
	s18 =	sadd.s32 $0x0, s5;
	s19 =	simm.s32 $0x0  }
0x11: {  	_ =	swait.ge [sflag:s11], $0x1000;
	s18 =	sshll.u32 s18, $0xA;
	s20 =	sshrl.u32 s17, $0x4  }
0x12: {  	s17 =	sand.u32 $0xF, s17;
	[sflag:s11] =	ssyncset.done $0x0;
	s20 =	smul.u32 $0x30D40, s20  }
0x13: {  	s18 =	sand.u32 $0xFFFFC000, s18;
	s17 =	smul.u32 $0x30D4, s17;
	[sflag:s11] =	ssyncadd.s32 $0xFFFFF000  }
0x14: {  	[tilespmem:s12], [sflag:$0x2] =	stream.linear.gather [hbm4b:s7+s2], $0x1000, $0x38;
	[tilespmem:$0x7000] =	vst v63  }
0x15: {  	s18 =	ssub.s32 s18, s19;
	s19 =	smov.u32 s10;
	_ =	swait.ge [sflag:s11], $0x1000  }
0x16: {  	s18 =	sshra.s32 s18, $0x2;
	s31 =	sadd.s32 s4, s20;
	[sflag:s11] =	ssyncset.done $0x0  }
0x17: {  	s18 =	sadd.s32 s18, s10;
	s17 =	sadd.s32 s17, s31;
	[sflag:s11] =	ssyncadd.s32 $0xFFFFF000  }
0x18: {  	[tilespmem:s15], [sflag:$0x1] =	stream.indirect.gather [hbm4b:s17+s13], $0x1, s18, s13, $0xb8;
	[tilespmem:$0x7000] =	vst v63  }
0x19: {  	s20 =	simm.s32 $0x2000;
	s17 =	simm.s32 $0x1;
	s18 =	simm.s32 $0x0  }
.LBB2_2:
0x1a: {  	s21 =	sshrl.u32 s17, $0x5;
	p0 =	slt.u32 s18, $0x30  }
0x1b: {  	s19 =	sadd.s32 $0x80, s19;
	s18 =	smov.u32 s17;
	s20 =	sadd.s32 $0x80, s20  }
0x1c: {  	s17 =	sadd.s32 $0x1, s17;
	s22 =	sadd.s32 s3, s21;
	s23 =	simm.s32 @!p0 $0x1  }
0x1d: {  	s24 =	sadd.s32 s21, s5;
	s21 =	sshll.u32 s21, $0xE;
	s25 =	sand.u32 $0xF, s22  }
0x1e: {  	s24 =	sshll.u32 s24, $0xA;
	s22 =	sshrl.u32 s22, $0x4;
	_ =	swait.ge @!p0 [sflag:s23], $0x80  }
0x1f: {  	s24 =	sand.u32 $0xFFFFC000, s24;
	s22 =	smul.u32 $0x30D40, s22;
	[sflag:s23] =	ssyncset.done @!p0 $0x0  }
0x20: {  	[sflag:s23] =	ssyncadd.s32 @!p0 $0xFFFFFF80;
	p0 =	sne.s32 s17, $0xA0  }
.Ltmp0:
0x21: {  	_ = 	snop;
	(pc) =	sbr.rel @p0 .LBB2_2-.Ltmp0, $4  }
0x22: {  	s21 =	ssub.s32 s24, s21;
	s24 =	smul.u32 $0x30D4, s25  }
0x23: {  	s21 =	sshra.s32 s21, $0x2;
	s22 =	sadd.s32 s4, s22  }
0x24: {  	s21 =	sadd.s32 s21, s19;
	s22 =	sadd.s32 s24, s22  }
0x25: {  	[tilespmem:s20], [sflag:$0x1] =	stream.indirect.gather [hbm4b:s22+s13], $0x1, s21, s13, $0xb8;
	[tilespmem:$0x7000] =	vst v63  }
0x26: {  	p0 =	slt.u32 s18, $0x30  }
0x27: {  	s17 =	simm.s32 @!p0 $0x1  }
0x28: {  	_ =	swait.ge @!p0 [sflag:s17], $0x80  }
0x29: {  	[sflag:s17] =	ssyncset.done @!p0 $0x0  }
0x2a: {  	[sflag:s17] =	ssyncadd.s32 @!p0 $0xFFFFFF80  }
0x2b: {  	_ =	swait.ge [sflag:s14], $0x80  }
0x2c: {  	s17 =	simm.s32 $0x2F;
	[sflag:s14] =	ssyncset.done $0x0  }
.LBB2_4:
0x2d: {  	p0 =	sne.s32 s17, $0x1;
	s17 =	sadd.s32 $0xFFFFFFFF, s17;
	[sflag:s14] =	ssyncadd.s32 $0xFFFFFF80  }
.Ltmp1:
0x2e: {  	(pc) =	sbr.rel @p0 .LBB2_4-.Ltmp1, $3  }
0x2f: {  	_ =	sdelay $0x1  }
0x30: {  	_ =	swait.ge [sflag:s14], $0x80  }
0x31: {  	[sflag:s14] =	ssyncset.done $0x0  }
0x32: {  	s16 =	sadd.s32 $0x1, s16  }
0x33: {  	p0 =	sne.s32 s16, s9  }
.Ltmp2:
0x34: {  	[sflag:s14] =	ssyncadd.s32 $0xFFFFFF80;
	(pc) =	sbr.rel @p0 .LBB2_1-.Ltmp2, $4  }
0x35: {  	[hbm4b:s8+s2] =	stream.linear.scatter [tilespmem:s15], [sflag:$0x2], $0x5000, $0x38;
	[tilespmem:$0x7000] =	vst v63  }
0x36: {  	_ =	swait.ge [sflag:s11], $0x5000  }
0x37: {  	[sflag:s11] =	ssyncset.done $0x0  }
0x38: {  	[sflag:s11] =	ssyncadd.s32 $0xFFFFB000  }
0x39: {  	_ =	sfence.sel $0x180000  }
0x3a: {  	[bflag:$0x0] =	sbarrier.arrive $0xFFFF  }
0x3b: {  	p0 =	sne.s32 s0, $0x0;
	_ =	strace $0x9000004A  }
0x3c: {  	s0 =	sadd.s32 @!p0 $0x100000, s1;
	[bflag:$0x2] =	sbarrier.arrive $0xFFFF  }
0x3d: {  	[sflag:s0] =	ssyncadd.tile.s32 @!p0 $0x1;
	_ =	shalt  }
.Lfunc_end2:
_tile_overlayer_lowered:
.L_overlay_start_2:
0x3e: {  	(tag) =	ssettag $0x2  }
0x3f: {  	s0 =	rddreg [dreg:$0x0];
	s2 =	stileid.u32  }
0x40: {  	s1 =	rddreg [dreg:$0x1];
	p0 =	sne.s32 s2, $0x0  }
0x41: {  	s3 =	rddreg [dreg:$0x2];
	[bflag:$0x3] =	sbarrier.arrive $0xFFFF;
	s2 =	simm.s32 @!p0 $0x1C02  }
0x42: {  	[timem:s3], [sflag:s2] =	dma.local @!p0 [hbm:s0], s1  }
0x43: {  	s0 =	simm.s32 @!p0 $0x2  }
0x44: {  	_ =	swait.ge @!p0 [sflag:s0], s1  }
0x45: {  	s1 =	ssub.s32 @!p0 $0x0, s1;
	[sflag:s0] =	ssyncset.done @!p0 $0x0  }
0x46: {  	[sflag:s0] =	ssyncadd.s32 @!p0 s1  }
0x47: {  	[bflag:$0x3] =	sbarrier.arrive $0xFFFF  }
0x48: {  	_ =	shalt  }

</sc_bundles>
